<compile_context>
chip_gen: v7x
topology: tpu7x:2x2x1
jax: 0.10.2.dev20260603
libtpu: 0.0.44.dev20260713+nightly
codegen_flags: <defaults>
</compile_context>

<pallas_src>
import jax
import jax.numpy as jnp
from jax import lax
from jax.experimental import pallas as pl
from jax.experimental.pallas import tpu as pltpu
from jax.experimental.pallas import tpu_sc as plsc

N = 10000
E = 640000
G = 64
H = 16
EPAD = 655360
RPAD = EPAD // 128
VALID_ROWS = E // 128
ROWS_PER_TILE = RPAD // 32
CHUNK_ROWS = 4
KCH = CHUNK_ROWS * 128
N_CHUNKS = ROWS_PER_TILE // CHUNK_ROWS
EB = 5120
NSP = 10240
NROWS_PER_TILE = NSP // 16


def _node_prep_body(x_ref, w1, b1, w2, b2, w3, b3, wl, bl, wr,
                    xl_ref, xr_ref):
    h = jnp.maximum(x_ref[...] @ w1[...] + b1[...], 0.0)
    h = jnp.maximum(h @ w2[...] + b2[...], 0.0)
    h = h @ w3[...] + b3[...]
    xl_ref[...] = h @ wl[...] + bl[...]
    xr_ref[...] = h @ wr[...]


def _node_prep(x, p):
    return pl.pallas_call(
        _node_prep_body,
        out_shape=(jax.ShapeDtypeStruct((N, H), jnp.float32),
                   jax.ShapeDtypeStruct((N, H), jnp.float32)),
    )(x, p['node_W1'], p['node_b1'], p['node_W2'], p['node_b2'],
      p['node_W3'], p['node_b3'], p['gat_Wl'], p['gat_bl'], p['gat_Wr'])


def _edge_mlp_body(aT_ref, w1t, b1c, w2t, b2c, w3t, b3c, wet, eT_ref):
    h = jnp.maximum(w1t[...] @ aT_ref[...] + b1c[...], 0.0)
    h = jnp.maximum(w2t[...] @ h + b2c[...], 0.0)
    h = w3t[...] @ h + b3c[...]
    eT_ref[...] = wet[...] @ h


def _edge_mlp(aT_pad, p):
    grid = EPAD // EB
    full = pl.BlockSpec((H, H), lambda i: (0, 0))
    colv = pl.BlockSpec((H, 1), lambda i: (0, 0))
    return pl.pallas_call(
        _edge_mlp_body,
        grid=(grid,),
        in_specs=[pl.BlockSpec((H, EB), lambda i: (0, i)),
                  full, colv, full, colv, full, colv, full],
        out_specs=pl.BlockSpec((H, EB), lambda i: (0, i)),
        out_shape=jax.ShapeDtypeStruct((H, EPAD), jnp.float32),
    )(aT_pad,
      p['edge_W1'].T, p['edge_b1'][:, None],
      p['edge_W2'].T, p['edge_b2'][:, None],
      p['edge_W3'].T, p['edge_b3'][:, None],
      p['gat_We'].T)


def _edge_pass_body(srcR, dstR, e_hbm, xl_hbm, xr_hbm, att_hbm, acc_out,
                    src_v, dst_v0, dst_v1, dst_v2, dst_v3,
                    e_v, xlr, xrr, wr, att_v, zb, acc_sp,
                    sem_in, sem_g, sem_sc):
    c = lax.axis_index("c")
    s = lax.axis_index("s")
    wid = s * 2 + c
    dst_vs = (dst_v0, dst_v1, dst_v2, dst_v3)

    zero16 = jnp.zeros((16,), jnp.float32)

    def _zero_zb(r, carry):
        zb[r, pl.ds(0, 16)] = zero16
        zb[r, pl.ds(16, 16)] = zero16
        return carry
    lax.fori_loop(0, NROWS_PER_TILE, _zero_zb, None)

    pltpu.sync_copy(zb, acc_sp.at[pl.ds(s * NROWS_PER_TILE, NROWS_PER_TILE)])
    pltpu.sync_copy(att_hbm, att_v)
    plsc.subcore_barrier()

    lane = lax.iota(jnp.int32, 16)

    def chunk_body(ci, carry):
        row0 = wid * ROWS_PER_TILE + ci * CHUNK_ROWS
        cps = [pltpu.async_copy(srcR.at[pl.ds(row0, CHUNK_ROWS)], src_v,
                                sem_in),
               pltpu.async_copy(e_hbm.at[:, pl.ds(row0 * 128, KCH)], e_v,
                                sem_in)]
        for j in range(CHUNK_ROWS):
            cps.append(pltpu.async_copy(dstR.at[row0 + j], dst_vs[j], sem_in))
        for cp in cps:
            cp.wait()
        gps = []
        for j in range(CHUNK_ROWS):
            gps.append(pltpu.async_copy(
                xl_hbm.at[src_v.at[j]], xlr.at[pl.ds(j * 128, 128)], sem_g))
            gps.append(pltpu.async_copy(
                xr_hbm.at[dst_vs[j]], xrr.at[pl.ds(j * 128, 128)], sem_g))
        for cp in gps:
            cp.wait()

        def group_body(g, carry2):
            base = g * 16
            rowi = base + lane
            valid = ((row0 + g // 8) < VALID_ROWS).astype(jnp.float32)
            logit = jnp.zeros((16,), jnp.float32)
            xls = []
            for j in range(H):
                colj = jnp.full((16,), j, jnp.int32)
                xl_j = plsc.load_gather(xlr, [rowi, colj])
                xr_j = plsc.load_gather(xrr, [rowi, colj])
                e_j = e_v[j, pl.ds(base, 16)]
                m = xl_j + xr_j + e_j
                act = jnp.where(m >= 0, m, 0.2 * m)
                ub = lax.bitcast_convert_type(act, jnp.uint32)
                bias = jnp.uint32(0x7FFF) + ((ub >> jnp.uint32(16))
                                             & jnp.uint32(1))
                ub = (ub + bias) & jnp.uint32(0xFFFF0000)
                actq = lax.bitcast_convert_type(ub, jnp.float32)
                logit = logit + att_v[j, :] * actq
                xls.append(xl_j)
            u = jnp.exp(logit) * valid
            for j in range(H):
                plsc.store_scatter(wr, [rowi, jnp.full((16,), j, jnp.int32)],
                                   u * xls[j])
            plsc.store_scatter(wr, [rowi, jnp.full((16,), 16, jnp.int32)], u)
            return carry2
        lax.fori_loop(0, KCH // 16, group_body, None)

        sps = []
        for j in range(CHUNK_ROWS):
            sps.append(pltpu.async_copy(
                wr.at[pl.ds(j * 128, 128)], acc_sp.at[dst_vs[j]],
                sem_sc, add=True))
        for cp in sps:
            cp.wait()
        return carry

    lax.fori_loop(0, N_CHUNKS, chunk_body, None)

    plsc.subcore_barrier()
    sl = pl.ds(s * NROWS_PER_TILE, NROWS_PER_TILE)
    pltpu.sync_copy(acc_sp.at[sl], acc_out.at[c, sl])


def _edge_pass(srcR, dstR, eT_pad, xl, xr, attT):
    mesh = plsc.VectorSubcoreMesh(core_axis_name="c", subcore_axis_name="s")
    f = pl.kernel(
        _edge_pass_body,
        out_type=jax.ShapeDtypeStruct((2, NSP, 32), jnp.float32),
        mesh=mesh,
        compiler_params=pltpu.CompilerParams(needs_layout_passes=False,
                                             use_tc_tiling_on_sc=False),
        scratch_types=[
            pltpu.VMEM((CHUNK_ROWS, 128), jnp.int32),
            pltpu.VMEM((128,), jnp.int32),
            pltpu.VMEM((128,), jnp.int32),
            pltpu.VMEM((128,), jnp.int32),
            pltpu.VMEM((128,), jnp.int32),
            pltpu.VMEM((H, KCH), jnp.float32),
            pltpu.VMEM((KCH, H), jnp.float32),
            pltpu.VMEM((KCH, H), jnp.float32),
            pltpu.VMEM((KCH, 32), jnp.float32),
            pltpu.VMEM((H, H), jnp.float32),
            pltpu.VMEM((NROWS_PER_TILE, 32), jnp.float32),
            pltpu.VMEM_SHARED((NSP, 32), jnp.float32),
            pltpu.SemaphoreType.DMA,
            pltpu.SemaphoreType.DMA,
            pltpu.SemaphoreType.DMA,
        ],
    )
    return f(srcR, dstR, eT_pad, xl, xr, attT)


def _finalize_body(acc_ref, batch_ref, gbias, w1, b1, gamma, beta, w2, b2,
                   out_ref, sig_ref, hg):
    acc = acc_ref[0, :N, :] + acc_ref[1, :N, :]
    node = acc[:, :16] / (acc[:, 16:17] + 1e-16) + gbias[...]
    bcol = batch_ref[...]

    def pool(g, carry):
        m = jnp.where(bcol == g, node, -jnp.inf)
        hg[pl.ds(g, 1), :] = jnp.max(m, axis=0, keepdims=True)
        return carry
    lax.fori_loop(0, G, pool, None)

    def q(a):
        return a.astype(jnp.bfloat16).astype(jnp.float32)

    z = q(hg[...]) @ q(w1[...]) + b1[...]
    mu = jnp.mean(z, axis=0)
    var = jnp.mean((z - mu) * (z - mu), axis=0)
    z = (z - mu) * lax.rsqrt(var + 1e-5) * gamma[...] + beta[...]
    z = jnp.where(z >= 0, z, 0.01 * z)
    out = q(z) @ q(w2[...]) + b2[...]
    out_ref[...] = out
    sig_ref[...] = jax.nn.sigmoid(out)


def _finalize(acc, batch_col, p):
    return pl.pallas_call(
        _finalize_body,
        out_shape=(jax.ShapeDtypeStruct((G, 1), jnp.float32),
                   jax.ShapeDtypeStruct((G, 1), jnp.float32)),
        scratch_shapes=[pltpu.VMEM((G, H), jnp.float32)],
    )(acc, batch_col, p['gat_bias'], p['out_W1'], p['out_b1'],
      p['bn_gamma'], p['bn_beta'], p['out_W2'], p['out_b2'])


def kernel(x, edge_index, batch, edge_attr, params):
    p = params
    xl, xr = _node_prep(x, p)

    aT_pad = jnp.zeros((H, EPAD), jnp.float32).at[:, :E].set(edge_attr.T)
    eT_pad = _edge_mlp(aT_pad, p)

    srcR = jnp.zeros((EPAD,), jnp.int32).at[:E].set(
        edge_index[0]).reshape(RPAD, 128)
    dstR = jnp.zeros((EPAD,), jnp.int32).at[:E].set(
        edge_index[1]).reshape(RPAD, 128)

    ua = lax.bitcast_convert_type(p['gat_att'], jnp.uint32)
    ua = (ua + (jnp.uint32(0x7FFF) + ((ua >> jnp.uint32(16)) & jnp.uint32(1)))) \
        & jnp.uint32(0xFFFF0000)
    att_q = lax.bitcast_convert_type(ua, jnp.float32)
    attT = jnp.tile(att_q[:, None], (1, H))
    acc = _edge_pass(srcR, dstR, eT_pad, xl, xr, attT)

    out, sig = _finalize(acc, batch[:, None], p)
    return (out, sig)

# --- scband reference (transcript-rebuilt; emitter-appended) ---
"""Pipeline reference for scband-gat-34213709480326 (READ-ONLY COPY).

The authoritative reference and input builder live on the scoring server;
editing this copy changes nothing except your own understanding.
"""

import jax, jax.numpy as jnp
import numpy as np

N = 10000
E = 640000
D_IN = 128
D_EDGE = 16
H = 16
G = 64

def _glorot(key, shape):
    fan_in, fan_out = shape[0], shape[-1]
    lim = float(np.sqrt(6.0 / (fan_in + fan_out)))
    return jax.random.uniform(key, shape, minval=-lim, maxval=lim, dtype=jnp.float32)

def _make_params(key):
    ks = jax.random.split(key, 16)
    p = {}
    p['node_W1'] = _glorot(ks[0], (D_IN, H)); p['node_b1'] = jnp.zeros((H,), jnp.float32)
    p['node_W2'] = _glorot(ks[1], (H, H)); p['node_b2'] = jnp.zeros((H,), jnp.float32)
    p['node_W3'] = _glorot(ks[2], (H, H)); p['node_b3'] = jnp.zeros((H,), jnp.float32)
    p['edge_W1'] = _glorot(ks[3], (D_EDGE, H)); p['edge_b1'] = jnp.zeros((H,), jnp.float32)
    p['edge_W2'] = _glorot(ks[4], (H, H)); p['edge_b2'] = jnp.zeros((H,), jnp.float32)
    p['edge_W3'] = _glorot(ks[5], (H, H)); p['edge_b3'] = jnp.zeros((H,), jnp.float32)
    p['gat_Wl'] = _glorot(ks[6], (H, H)); p['gat_bl'] = jnp.zeros((H,), jnp.float32)
    p['gat_Wr'] = _glorot(ks[7], (H, H))
    p['gat_We'] = _glorot(ks[8], (H, H))
    p['gat_att'] = _glorot(ks[9], (H, 1))[:, 0]
    p['gat_bias'] = jnp.zeros((H,), jnp.float32)
    p['out_W1'] = _glorot(ks[10], (H, H)); p['out_b1'] = jnp.zeros((H,), jnp.float32)
    p['bn_gamma'] = jnp.ones((H,), jnp.float32); p['bn_beta'] = jnp.zeros((H,), jnp.float32)
    p['out_W2'] = _glorot(ks[11], (H, 1)); p['out_b2'] = jnp.zeros((1,), jnp.float32)
    return p

def setup_inputs(seed: int = 0):
    key = jax.random.key(seed)
    k1, k2, k3, k4, k5 = jax.random.split(key, 5)
    x = jax.random.normal(k1, (N, D_IN), dtype=jnp.float32)
    edge_index = jax.random.randint(k2, (2, E), 0, N, dtype=jnp.int32)
    batch = jnp.sort(jax.random.randint(k3, (N,), 0, G, dtype=jnp.int32))
    edge_attr = jax.random.normal(k4, (E, D_EDGE), dtype=jnp.float32)
    params = _make_params(k5)
    return {'x': x, 'edge_index': edge_index, 'batch': batch, 'edge_attr': edge_attr, 'params': params}

def _forward(x, edge_attr, params, edge_index, batch):
    relu = jax.nn.relu
    # node embedding MLP (MLPembd / node_embd: Linear-ReLU-Linear-ReLU-Linear)
    h = relu(x @ params['node_W1'] + params['node_b1'])
    h = relu(h @ params['node_W2'] + params['node_b2'])
    h = h @ params['node_W3'] + params['node_b3']
    # edge feature MLP
    e = relu(edge_attr @ params['edge_W1'] + params['edge_b1'])
    e = relu(e @ params['edge_W2'] + params['edge_b2'])
    e = e @ params['edge_W3'] + params['edge_b3']
    # edge_attr already hidden dim; GATv2Conv lin_edge projection
    e = e @ params['gat_We']
    src = edge_index[0]
    dst = edge_index[1]
    # GATv2Conv (heads=1)
    xl = h @ params['gat_Wl'] + params['gat_bl']
    xr = h @ params['gat_Wr']
    m = xl[src] + xr[dst] + e
    m_act = jax.nn.leaky_relu(m, negative_slope=0.2)
    logits = m_act @ params['gat_att']
    seg_max = jax.ops.segment_max(logits, dst, num_segments=N)
    seg_max = jnp.where(jnp.isfinite(seg_max), seg_max, 0.0)
    unnorm = jnp.exp(logits - seg_max[dst])
    denom = jax.ops.segment_sum(unnorm, dst, num_segments=N)
    alpha = unnorm / (denom[dst] + 1e-16)
    node_out = jax.ops.segment_sum(alpha[:, None] * xl[src], dst, num_segments=N) + params['gat_bias']
    # global_max_pool per graph
    hg = jax.ops.segment_max(node_out, batch, num_segments=G)
    # mlp_out: Linear -> BatchNorm1d (batch stats, training mode) -> LeakyReLU -> Dropout(identity) -> Linear
    z = hg @ params['out_W1'] + params['out_b1']
    mu = jnp.mean(z, axis=0)
    var = jnp.var(z, axis=0)
    z = (z - mu) / jnp.sqrt(var + 1e-5) * params['bn_gamma'] + params['bn_beta']
    z = jax.nn.leaky_relu(z, negative_slope=0.01)
    out = z @ params['out_W2'] + params['out_b2']
    return out

def reference(x, edge_index, batch, edge_attr, params):
    h = _forward(x, edge_attr, params, edge_index, batch)
    return (h, jax.nn.sigmoid(h))

if __name__ == "__main__":
    import jax
    _d = setup_inputs()
    print(jax.jit(kernel)(*tuple(_d.values())))

</pallas_src>

<mosaic_0001>
#map = affine_map<(d0, d1) -> (0, 0)>
#map1 = affine_map<(d0, d1) -> (0, 0, 0)>
module attributes {stable_mosaic.version = 14 : i64} {
  func.func @_edge_pass_body(%arg0: i32, %arg1: i32, %arg2: memref<5120x128xi32, #tpu.memory_space<hbm>>, %arg3: memref<5120x128xi32, #tpu.memory_space<hbm>>, %arg4: memref<16x655360xf32, #tpu.memory_space<hbm>>, %arg5: memref<10000x16xf32, #tpu.memory_space<hbm>>, %arg6: memref<10000x16xf32, #tpu.memory_space<hbm>>, %arg7: memref<16x16xf32, #tpu.memory_space<hbm>>, %arg8: memref<2x10240x32xf32, #tpu.memory_space<hbm>>, %arg9: memref<4x128xi32, #tpu.memory_space<vmem>>, %arg10: memref<128xi32, #tpu.memory_space<vmem>>, %arg11: memref<128xi32, #tpu.memory_space<vmem>>, %arg12: memref<128xi32, #tpu.memory_space<vmem>>, %arg13: memref<128xi32, #tpu.memory_space<vmem>>, %arg14: memref<16x512xf32, #tpu.memory_space<vmem>>, %arg15: memref<512x16xf32, #tpu.memory_space<vmem>>, %arg16: memref<512x16xf32, #tpu.memory_space<vmem>>, %arg17: memref<512x32xf32, #tpu.memory_space<vmem>>, %arg18: memref<16x16xf32, #tpu.memory_space<vmem>>, %arg19: memref<640x32xf32, #tpu.memory_space<vmem>>, %arg20: memref<10240x32xf32, #tpu.memory_space<vmem_shared>>, %arg21: memref<!tpu.dma_semaphore, #tpu.memory_space<semaphore_mem>>, %arg22: memref<!tpu.dma_semaphore, #tpu.memory_space<semaphore_mem>>, %arg23: memref<!tpu.dma_semaphore, #tpu.memory_space<semaphore_mem>>) attributes {dimension_semantics = [#tpu.dimension_semantics<core_parallel>, #tpu.dimension_semantics<subcore_parallel>], iteration_bounds = array<i64: 2, 16>, scalar_prefetch = 0 : i64, scratch_operands = 15 : i64, tpu.core_type = #tpu.core_type<sc_vector_subcore>, window_params = [{transform_indices = #map}, {transform_indices = #map}, {transform_indices = #map}, {transform_indices = #map}, {transform_indices = #map}, {transform_indices = #map}, {transform_indices = #map1}]} {
    %mul3A = arith.constant 2 : i32
    %mul3A_0 = arith.muli %arg1, %mul3A : i32
    %add3A = arith.addi %mul3A_0, %arg0 : i32
    %broadcast_in_dim3A = arith.constant 0.000000e+00 : f32
    %broadcast_in_dim3A_1 = vector.broadcast %broadcast_in_dim3A : f32 to vector<16xf32>
    %scan3A = arith.constant 0 : i32
    %scan3A_2 = arith.constant 640 : i32
    %scan3A_3 = arith.addi %scan3A, %scan3A_2 : i32
    %scan3A_4 = arith.constant 1 : i32
    scf.for %scan3A_16 = %scan3A to %scan3A_3 step %scan3A_4  : i32 {
      %swap3A = arith.index_cast %scan3A_16 : i32 to index
      %swap3A_17 = arith.constant 0 : index
      %swap3A_18 = tpu.vector_load %arg19[%swap3A, %swap3A_17] {strides = array<i32>} : memref<640x32xf32, #tpu.memory_space<vmem>>, vector<16xf32>,
      tpu.vector_store %arg19[%swap3A, %swap3A_17], %broadcast_in_dim3A_1 {strides = array<i32>} : memref<640x32xf32, #tpu.memory_space<vmem>>, vector<16xf32>,
      %swap3A_19 = arith.index_cast %scan3A_16 : i32 to index
      %swap3A_20 = arith.constant 16 : index
      %swap3A_21 = tpu.vector_load %arg19[%swap3A_19, %swap3A_20] {strides = array<i32>} : memref<640x32xf32, #tpu.memory_space<vmem>>, vector<16xf32>,
      tpu.vector_store %arg19[%swap3A_19, %swap3A_20], %broadcast_in_dim3A_1 {strides = array<i32>} : memref<640x32xf32, #tpu.memory_space<vmem>>, vector<16xf32>,
    }
    %scan3A_5 = arith.constant 640 : i32
    %mul3A_6 = arith.constant 640 : i32
    %mul3A_7 = arith.muli %arg1, %mul3A_6 : i32
    "tpu.region"() ({
      %run_scoped3A = tpu.sem_alloc : memref<!tpu.dma_semaphore, #tpu.memory_space<semaphore_mem>>
      %dma_start3A = arith.constant 0 : i32
      %dma_start3A_16 = tpu.memref_slice %arg20[%mul3A_7, %dma_start3A] : memref<10240x32xf32, #tpu.memory_space<vmem_shared>> -> memref<640x32xf32, #tpu.memory_space<vmem_shared>>
      %dma_start3A_17 = arith.constant 0 : i32
      %dma_start3A_18 = tpu.memref_slice %arg20[%mul3A_7, %dma_start3A_17] : memref<10240x32xf32, #tpu.memory_space<vmem_shared>> -> memref<640x32xf32, #tpu.memory_space<vmem_shared>>
      tpu.enqueue_dma source(%arg19 : memref<640x32xf32, #tpu.memory_space<vmem>>) target(%dma_start3A_18 : memref<640x32xf32, #tpu.memory_space<vmem_shared>>) target_semaphore(%run_scoped3A : memref<!tpu.dma_semaphore, #tpu.memory_space<semaphore_mem>>)
      %dma_wait3A = arith.constant 0 : i32
      %dma_wait3A_19 = tpu.memref_slice %arg20[%mul3A_7, %dma_wait3A] : memref<10240x32xf32, #tpu.memory_space<vmem_shared>> -> memref<640x32xf32, #tpu.memory_space<vmem_shared>>
      %dma_wait3A_20 = arith.constant 0 : i32
      %dma_wait3A_21 = tpu.memref_slice %arg20[%mul3A_7, %dma_wait3A_20] : memref<10240x32xf32, #tpu.memory_space<vmem_shared>> -> memref<640x32xf32, #tpu.memory_space<vmem_shared>>
      tpu.wait_dma2 semaphore(%run_scoped3A : memref<!tpu.dma_semaphore, #tpu.memory_space<semaphore_mem>>) src(%arg19 : memref<640x32xf32, #tpu.memory_space<vmem>>) dst(%dma_wait3A_21 : memref<640x32xf32, #tpu.memory_space<vmem_shared>>)
      tpu.yield
    }) : () -> ()
    "tpu.region"() ({
      %run_scoped3A = tpu.sem_alloc : memref<!tpu.dma_semaphore, #tpu.memory_space<semaphore_mem>>
      tpu.enqueue_dma source(%arg7 : memref<16x16xf32, #tpu.memory_space<hbm>>) target(%arg18 : memref<16x16xf32, #tpu.memory_space<vmem>>) target_semaphore(%run_scoped3A : memref<!tpu.dma_semaphore, #tpu.memory_space<semaphore_mem>>)
      tpu.wait_dma2 semaphore(%run_scoped3A : memref<!tpu.dma_semaphore, #tpu.memory_space<semaphore_mem>>) src(%arg7 : memref<16x16xf32, #tpu.memory_space<hbm>>) dst(%arg18 : memref<16x16xf32, #tpu.memory_space<vmem>>)
      tpu.yield
    }) : () -> ()
    %barrier3A = arith.constant 0 : index
    tpu.barrier barrier_id(%barrier3A)
    %iota3A = tpu.iota {dimensions = array<i32: 0>} : vector<16xi32>
    %scan3A_8 = arith.constant 0 : i32
    %scan3A_9 = arith.constant 40 : i32
    %scan3A_10 = arith.addi %scan3A_8, %scan3A_9 : i32
    %scan3A_11 = arith.constant 1 : i32
    scf.for %scan3A_16 = %scan3A_8 to %scan3A_10 step %scan3A_11  : i32 {
      %mul3A_17 = arith.constant 160 : i32
      %mul3A_18 = arith.muli %add3A, %mul3A_17 : i32
      %mul3A_19 = arith.constant 4 : i32
      %mul3A_20 = arith.muli %scan3A_16, %mul3A_19 : i32
      %add3A_21 = arith.addi %mul3A_18, %mul3A_20 : i32
      %dma_start3A = arith.constant 0 : i32
      %dma_start3A_22 = tpu.memref_slice %arg2[%add3A_21, %dma_start3A] : memref<5120x128xi32, #tpu.memory_space<hbm>> -> memref<4x128xi32, #tpu.memory_space<hbm>>
      %dma_start3A_23 = arith.constant 0 : i32
      %dma_start3A_24 = tpu.memref_slice %arg2[%add3A_21, %dma_start3A_23] : memref<5120x128xi32, #tpu.memory_space<hbm>> -> memref<4x128xi32, #tpu.memory_space<hbm>>
      tpu.enqueue_dma source(%dma_start3A_24 : memref<4x128xi32, #tpu.memory_space<hbm>>) target(%arg9 : memref<4x128xi32, #tpu.memory_space<vmem>>) target_semaphore(%arg21 : memref<!tpu.dma_semaphore, #tpu.memory_space<semaphore_mem>>)
      %mul3A_25 = arith.constant 128 : i32
      %mul3A_26 = arith.muli %add3A_21, %mul3A_25 : i32
      %dma_start3A_27 = arith.constant 0 : i32
      %dma_start3A_28 = tpu.memref_slice %arg4[%dma_start3A_27, %mul3A_26] : memref<16x655360xf32, #tpu.memory_space<hbm>> -> memref<16x512xf32, #tpu.memory_space<hbm>>
      %dma_start3A_29 = arith.constant 0 : i32
      %dma_start3A_30 = tpu.memref_slice %arg4[%dma_start3A_29, %mul3A_26] : memref<16x655360xf32, #tpu.memory_space<hbm>> -> memref<16x512xf32, #tpu.memory_space<hbm>>
      tpu.enqueue_dma source(%dma_start3A_30 : memref<16x512xf32, #tpu.memory_space<hbm>>) target(%arg14 : memref<16x512xf32, #tpu.memory_space<vmem>>) target_semaphore(%arg21 : memref<!tpu.dma_semaphore, #tpu.memory_space<semaphore_mem>>)
      %add3A_31 = arith.constant 0 : i32
      %add3A_32 = arith.addi %add3A_21, %add3A_31 : i32
      %dma_start3A_33 = arith.constant 0 : i32
      %dma_start3A_34 = tpu.memref_slice %arg3[%add3A_32, %dma_start3A_33] : memref<5120x128xi32, #tpu.memory_space<hbm>> -> memref<1x128xi32, #tpu.memory_space<hbm>>
      %dma_start3A_35 = tpu.memref_squeeze %dma_start3A_34 : memref<1x128xi32, #tpu.memory_space<hbm>> -> memref<128xi32, #tpu.memory_space<hbm>>
      %dma_start3A_36 = arith.constant 0 : i32
      %dma_start3A_37 = tpu.memref_slice %arg3[%add3A_32, %dma_start3A_36] : memref<5120x128xi32, #tpu.memory_space<hbm>> -> memref<1x128xi32, #tpu.memory_space<hbm>>
      %dma_start3A_38 = tpu.memref_squeeze %dma_start3A_37 : memref<1x128xi32, #tpu.memory_space<hbm>> -> memref<128xi32, #tpu.memory_space<hbm>>
      tpu.enqueue_dma source(%dma_start3A_38 : memref<128xi32, #tpu.memory_space<hbm>>) target(%arg10 : memref<128xi32, #tpu.memory_space<vmem>>) target_semaphore(%arg21 : memref<!tpu.dma_semaphore, #tpu.memory_space<semaphore_mem>>)
      %add3A_39 = arith.constant 1 : i32
      %add3A_40 = arith.addi %add3A_21, %add3A_39 : i32
      %dma_start3A_41 = arith.constant 0 : i32
      %dma_start3A_42 = tpu.memref_slice %arg3[%add3A_40, %dma_start3A_41] : memref<5120x128xi32, #tpu.memory_space<hbm>> -> memref<1x128xi32, #tpu.memory_space<hbm>>
      %dma_start3A_43 = tpu.memref_squeeze %dma_start3A_42 : memref<1x128xi32, #tpu.memory_space<hbm>> -> memref<128xi32, #tpu.memory_space<hbm>>
      %dma_start3A_44 = arith.constant 0 : i32
      %dma_start3A_45 = tpu.memref_slice %arg3[%add3A_40, %dma_start3A_44] : memref<5120x128xi32, #tpu.memory_space<hbm>> -> memref<1x128xi32, #tpu.memory_space<hbm>>
      %dma_start3A_46 = tpu.memref_squeeze %dma_start3A_45 : memref<1x128xi32, #tpu.memory_space<hbm>> -> memref<128xi32, #tpu.memory_space<hbm>>
      tpu.enqueue_dma source(%dma_start3A_46 : memref<128xi32, #tpu.memory_space<hbm>>) target(%arg11 : memref<128xi32, #tpu.memory_space<vmem>>) target_semaphore(%arg21 : memref<!tpu.dma_semaphore, #tpu.memory_space<semaphore_mem>>)
      %add3A_47 = arith.constant 2 : i32
      %add3A_48 = arith.addi %add3A_21, %add3A_47 : i32
      %dma_start3A_49 = arith.constant 0 : i32
      %dma_start3A_50 = tpu.memref_slice %arg3[%add3A_48, %dma_start3A_49] : memref<5120x128xi32, #tpu.memory_space<hbm>> -> memref<1x128xi32, #tpu.memory_space<hbm>>
      %dma_start3A_51 = tpu.memref_squeeze %dma_start3A_50 : memref<1x128xi32, #tpu.memory_space<hbm>> -> memref<128xi32, #tpu.memory_space<hbm>>
      %dma_start3A_52 = arith.constant 0 : i32
      %dma_start3A_53 = tpu.memref_slice %arg3[%add3A_48, %dma_start3A_52] : memref<5120x128xi32, #tpu.memory_space<hbm>> -> memref<1x128xi32, #tpu.memory_space<hbm>>
      %dma_start3A_54 = tpu.memref_squeeze %dma_start3A_53 : memref<1x128xi32, #tpu.memory_space<hbm>> -> memref<128xi32, #tpu.memory_space<hbm>>
      tpu.enqueue_dma source(%dma_start3A_54 : memref<128xi32, #tpu.memory_space<hbm>>) target(%arg12 : memref<128xi32, #tpu.memory_space<vmem>>) target_semaphore(%arg21 : memref<!tpu.dma_semaphore, #tpu.memory_space<semaphore_mem>>)
      %add3A_55 = arith.constant 3 : i32
      %add3A_56 = arith.addi %add3A_21, %add3A_55 : i32
      %dma_start3A_57 = arith.constant 0 : i32
      %dma_start3A_58 = tpu.memref_slice %arg3[%add3A_56, %dma_start3A_57] : memref<5120x128xi32, #tpu.memory_space<hbm>> -> memref<1x128xi32, #tpu.memory_space<hbm>>
      %dma_start3A_59 = tpu.memref_squeeze %dma_start3A_58 : memref<1x128xi32, #tpu.memory_space<hbm>> -> memref<128xi32, #tpu.memory_space<hbm>>
      %dma_start3A_60 = arith.constant 0 : i32
      %dma_start3A_61 = tpu.memref_slice %arg3[%add3A_56, %dma_start3A_60] : memref<5120x128xi32, #tpu.memory_space<hbm>> -> memref<1x128xi32, #tpu.memory_space<hbm>>
      %dma_start3A_62 = tpu.memref_squeeze %dma_start3A_61 : memref<1x128xi32, #tpu.memory_space<hbm>> -> memref<128xi32, #tpu.memory_space<hbm>>
      tpu.enqueue_dma source(%dma_start3A_62 : memref<128xi32, #tpu.memory_space<hbm>>) target(%arg13 : memref<128xi32, #tpu.memory_space<vmem>>) target_semaphore(%arg21 : memref<!tpu.dma_semaphore, #tpu.memory_space<semaphore_mem>>)
      %dma_wait3A = arith.constant 0 : i32
      %dma_wait3A_63 = tpu.memref_slice %arg2[%add3A_21, %dma_wait3A] : memref<5120x128xi32, #tpu.memory_space<hbm>> -> memref<4x128xi32, #tpu.memory_space<hbm>>
      %dma_wait3A_64 = arith.constant 0 : i32
      %dma_wait3A_65 = tpu.memref_slice %arg2[%add3A_21, %dma_wait3A_64] : memref<5120x128xi32, #tpu.memory_space<hbm>> -> memref<4x128xi32, #tpu.memory_space<hbm>>
      tpu.wait_dma2 semaphore(%arg21 : memref<!tpu.dma_semaphore, #tpu.memory_space<semaphore_mem>>) src(%dma_wait3A_65 : memref<4x128xi32, #tpu.memory_space<hbm>>) dst(%arg9 : memref<4x128xi32, #tpu.memory_space<vmem>>)
      %dma_wait3A_66 = arith.constant 0 : i32
      %dma_wait3A_67 = tpu.memref_slice %arg4[%dma_wait3A_66, %mul3A_26] : memref<16x655360xf32, #tpu.memory_space<hbm>> -> memref<16x512xf32, #tpu.memory_space<hbm>>
      %dma_wait3A_68 = arith.constant 0 : i32
      %dma_wait3A_69 = tpu.memref_slice %arg4[%dma_wait3A_68, %mul3A_26] : memref<16x655360xf32, #tpu.memory_space<hbm>> -> memref<16x512xf32, #tpu.memory_space<hbm>>
      tpu.wait_dma2 semaphore(%arg21 : memref<!tpu.dma_semaphore, #tpu.memory_space<semaphore_mem>>) src(%dma_wait3A_69 : memref<16x512xf32, #tpu.memory_space<hbm>>) dst(%arg14 : memref<16x512xf32, #tpu.memory_space<vmem>>)
      %dma_wait3A_70 = arith.constant 0 : i32
      %dma_wait3A_71 = tpu.memref_slice %arg3[%add3A_32, %dma_wait3A_70] : memref<5120x128xi32, #tpu.memory_space<hbm>> -> memref<1x128xi32, #tpu.memory_space<hbm>>
      %dma_wait3A_72 = tpu.memref_squeeze %dma_wait3A_71 : memref<1x128xi32, #tpu.memory_space<hbm>> -> memref<128xi32, #tpu.memory_space<hbm>>
      %dma_wait3A_73 = arith.constant 0 : i32
      %dma_wait3A_74 = tpu.memref_slice %arg3[%add3A_32, %dma_wait3A_73] : memref<5120x128xi32, #tpu.memory_space<hbm>> -> memref<1x128xi32, #tpu.memory_space<hbm>>
      %dma_wait3A_75 = tpu.memref_squeeze %dma_wait3A_74 : memref<1x128xi32, #tpu.memory_space<hbm>> -> memref<128xi32, #tpu.memory_space<hbm>>
      tpu.wait_dma2 semaphore(%arg21 : memref<!tpu.dma_semaphore, #tpu.memory_space<semaphore_mem>>) src(%dma_wait3A_75 : memref<128xi32, #tpu.memory_space<hbm>>) dst(%arg10 : memref<128xi32, #tpu.memory_space<vmem>>)
      %dma_wait3A_76 = arith.constant 0 : i32
      %dma_wait3A_77 = tpu.memref_slice %arg3[%add3A_40, %dma_wait3A_76] : memref<5120x128xi32, #tpu.memory_space<hbm>> -> memref<1x128xi32, #tpu.memory_space<hbm>>
      %dma_wait3A_78 = tpu.memref_squeeze %dma_wait3A_77 : memref<1x128xi32, #tpu.memory_space<hbm>> -> memref<128xi32, #tpu.memory_space<hbm>>
      %dma_wait3A_79 = arith.constant 0 : i32
      %dma_wait3A_80 = tpu.memref_slice %arg3[%add3A_40, %dma_wait3A_79] : memref<5120x128xi32, #tpu.memory_space<hbm>> -> memref<1x128xi32, #tpu.memory_space<hbm>>
      %dma_wait3A_81 = tpu.memref_squeeze %dma_wait3A_80 : memref<1x128xi32, #tpu.memory_space<hbm>> -> memref<128xi32, #tpu.memory_space<hbm>>
      tpu.wait_dma2 semaphore(%arg21 : memref<!tpu.dma_semaphore, #tpu.memory_space<semaphore_mem>>) src(%dma_wait3A_81 : memref<128xi32, #tpu.memory_space<hbm>>) dst(%arg11 : memref<128xi32, #tpu.memory_space<vmem>>)
      %dma_wait3A_82 = arith.constant 0 : i32
      %dma_wait3A_83 = tpu.memref_slice %arg3[%add3A_48, %dma_wait3A_82] : memref<5120x128xi32, #tpu.memory_space<hbm>> -> memref<1x128xi32, #tpu.memory_space<hbm>>
      %dma_wait3A_84 = tpu.memref_squeeze %dma_wait3A_83 : memref<1x128xi32, #tpu.memory_space<hbm>> -> memref<128xi32, #tpu.memory_space<hbm>>
      %dma_wait3A_85 = arith.constant 0 : i32
      %dma_wait3A_86 = tpu.memref_slice %arg3[%add3A_48, %dma_wait3A_85] : memref<5120x128xi32, #tpu.memory_space<hbm>> -> memref<1x128xi32, #tpu.memory_space<hbm>>
      %dma_wait3A_87 = tpu.memref_squeeze %dma_wait3A_86 : memref<1x128xi32, #tpu.memory_space<hbm>> -> memref<128xi32, #tpu.memory_space<hbm>>
      tpu.wait_dma2 semaphore(%arg21 : memref<!tpu.dma_semaphore, #tpu.memory_space<semaphore_mem>>) src(%dma_wait3A_87 : memref<128xi32, #tpu.memory_space<hbm>>) dst(%arg12 : memref<128xi32, #tpu.memory_space<vmem>>)
      %dma_wait3A_88 = arith.constant 0 : i32
      %dma_wait3A_89 = tpu.memref_slice %arg3[%add3A_56, %dma_wait3A_88] : memref<5120x128xi32, #tpu.memory_space<hbm>> -> memref<1x128xi32, #tpu.memory_space<hbm>>
      %dma_wait3A_90 = tpu.memref_squeeze %dma_wait3A_89 : memref<1x128xi32, #tpu.memory_space<hbm>> -> memref<128xi32, #tpu.memory_space<hbm>>
      %dma_wait3A_91 = arith.constant 0 : i32
      %dma_wait3A_92 = tpu.memref_slice %arg3[%add3A_56, %dma_wait3A_91] : memref<5120x128xi32, #tpu.memory_space<hbm>> -> memref<1x128xi32, #tpu.memory_space<hbm>>
      %dma_wait3A_93 = tpu.memref_squeeze %dma_wait3A_92 : memref<1x128xi32, #tpu.memory_space<hbm>> -> memref<128xi32, #tpu.memory_space<hbm>>
      tpu.wait_dma2 semaphore(%arg21 : memref<!tpu.dma_semaphore, #tpu.memory_space<semaphore_mem>>) src(%dma_wait3A_93 : memref<128xi32, #tpu.memory_space<hbm>>) dst(%arg13 : memref<128xi32, #tpu.memory_space<vmem>>)
      %dma_start3A_94 = arith.constant 0 : i32
      %dma_start3A_95 = arith.constant 0 : i32
      %dma_start3A_96 = arith.constant 0 : i32
      %dma_start3A_97 = tpu.memref_slice %arg15[%dma_start3A_95, %dma_start3A_96] : memref<512x16xf32, #tpu.memory_space<vmem>> -> memref<128x16xf32, #tpu.memory_space<vmem>>
      %dma_start3A_98 = arith.constant 0 : i32
      %dma_start3A_99 = tpu.memref_slice %arg9[%dma_start3A_94, %dma_start3A_98] : memref<4x128xi32, #tpu.memory_space<vmem>> -> memref<1x128xi32, #tpu.memory_space<vmem>>
      %dma_start3A_100 = tpu.memref_squeeze %dma_start3A_99 : memref<1x128xi32, #tpu.memory_space<vmem>> -> memref<128xi32, #tpu.memory_space<vmem>>
      %dma_start3A_101 = arith.constant 0 : i32
      %dma_start3A_102 = arith.constant 0 : i32
      %dma_start3A_103 = tpu.memref_slice %arg5[%dma_start3A_101, %dma_start3A_102] : memref<10000x16xf32, #tpu.memory_space<hbm>> -> memref<10000x16xf32, #tpu.memory_space<hbm>>
      tpu.enqueue_indirect_dma source(%dma_start3A_103 : memref<10000x16xf32, #tpu.memory_space<hbm>>) target(%dma_start3A_97 : memref<128x16xf32, #tpu.memory_space<vmem>>) offsets(%dma_start3A_100 : memref<128xi32, #tpu.memory_space<vmem>>) semaphore(%arg22 : memref<!tpu.dma_semaphore, #tpu.memory_space<semaphore_mem>>)
      %dma_start3A_104 = arith.constant 0 : i32
      %dma_start3A_105 = arith.constant 0 : i32
      %dma_start3A_106 = tpu.memref_slice %arg16[%dma_start3A_104, %dma_start3A_105] : memref<512x16xf32, #tpu.memory_space<vmem>> -> memref<128x16xf32, #tpu.memory_space<vmem>>
      %dma_start3A_107 = arith.constant 0 : i32
      %dma_start3A_108 = arith.constant 0 : i32
      %dma_start3A_109 = tpu.memref_slice %arg6[%dma_start3A_107, %dma_start3A_108] : memref<10000x16xf32, #tpu.memory_space<hbm>> -> memref<10000x16xf32, #tpu.memory_space<hbm>>
      tpu.enqueue_indirect_dma source(%dma_start3A_109 : memref<10000x16xf32, #tpu.memory_space<hbm>>) target(%dma_start3A_106 : memref<128x16xf32, #tpu.memory_space<vmem>>) offsets(%arg10 : memref<128xi32, #tpu.memory_space<vmem>>) semaphore(%arg22 : memref<!tpu.dma_semaphore, #tpu.memory_space<semaphore_mem>>)
      %dma_start3A_110 = arith.constant 1 : i32
      %dma_start3A_111 = arith.constant 128 : i32
      %dma_start3A_112 = arith.constant 0 : i32
      %dma_start3A_113 = tpu.memref_slice %arg15[%dma_start3A_111, %dma_start3A_112] : memref<512x16xf32, #tpu.memory_space<vmem>> -> memref<128x16xf32, #tpu.memory_space<vmem>>
      %dma_start3A_114 = arith.constant 0 : i32
      %dma_start3A_115 = tpu.memref_slice %arg9[%dma_start3A_110, %dma_start3A_114] : memref<4x128xi32, #tpu.memory_space<vmem>> -> memref<1x128xi32, #tpu.memory_space<vmem>>
      %dma_start3A_116 = tpu.memref_squeeze %dma_start3A_115 : memref<1x128xi32, #tpu.memory_space<vmem>> -> memref<128xi32, #tpu.memory_space<vmem>>
      %dma_start3A_117 = arith.constant 0 : i32
      %dma_start3A_118 = arith.constant 0 : i32
      %dma_start3A_119 = tpu.memref_slice %arg5[%dma_start3A_117, %dma_start3A_118] : memref<10000x16xf32, #tpu.memory_space<hbm>> -> memref<10000x16xf32, #tpu.memory_space<hbm>>
      tpu.enqueue_indirect_dma source(%dma_start3A_119 : memref<10000x16xf32, #tpu.memory_space<hbm>>) target(%dma_start3A_113 : memref<128x16xf32, #tpu.memory_space<vmem>>) offsets(%dma_start3A_116 : memref<128xi32, #tpu.memory_space<vmem>>) semaphore(%arg22 : memref<!tpu.dma_semaphore, #tpu.memory_space<semaphore_mem>>)
      %dma_start3A_120 = arith.constant 128 : i32
      %dma_start3A_121 = arith.constant 0 : i32
      %dma_start3A_122 = tpu.memref_slice %arg16[%dma_start3A_120, %dma_start3A_121] : memref<512x16xf32, #tpu.memory_space<vmem>> -> memref<128x16xf32, #tpu.memory_space<vmem>>
      %dma_start3A_123 = arith.constant 0 : i32
      %dma_start3A_124 = arith.constant 0 : i32
      %dma_start3A_125 = tpu.memref_slice %arg6[%dma_start3A_123, %dma_start3A_124] : memref<10000x16xf32, #tpu.memory_space<hbm>> -> memref<10000x16xf32, #tpu.memory_space<hbm>>
      tpu.enqueue_indirect_dma source(%dma_start3A_125 : memref<10000x16xf32, #tpu.memory_space<hbm>>) target(%dma_start3A_122 : memref<128x16xf32, #tpu.memory_space<vmem>>) offsets(%arg11 : memref<128xi32, #tpu.memory_space<vmem>>) semaphore(%arg22 : memref<!tpu.dma_semaphore, #tpu.memory_space<semaphore_mem>>)
      %dma_start3A_126 = arith.constant 2 : i32
      %dma_start3A_127 = arith.constant 256 : i32
      %dma_start3A_128 = arith.constant 0 : i32
      %dma_start3A_129 = tpu.memref_slice %arg15[%dma_start3A_127, %dma_start3A_128] : memref<512x16xf32, #tpu.memory_space<vmem>> -> memref<128x16xf32, #tpu.memory_space<vmem>>
      %dma_start3A_130 = arith.constant 0 : i32
      %dma_start3A_131 = tpu.memref_slice %arg9[%dma_start3A_126, %dma_start3A_130] : memref<4x128xi32, #tpu.memory_space<vmem>> -> memref<1x128xi32, #tpu.memory_space<vmem>>
      %dma_start3A_132 = tpu.memref_squeeze %dma_start3A_131 : memref<1x128xi32, #tpu.memory_space<vmem>> -> memref<128xi32, #tpu.memory_space<vmem>>
      %dma_start3A_133 = arith.constant 0 : i32
      %dma_start3A_134 = arith.constant 0 : i32
      %dma_start3A_135 = tpu.memref_slice %arg5[%dma_start3A_133, %dma_start3A_134] : memref<10000x16xf32, #tpu.memory_space<hbm>> -> memref<10000x16xf32, #tpu.memory_space<hbm>>
      tpu.enqueue_indirect_dma source(%dma_start3A_135 : memref<10000x16xf32, #tpu.memory_space<hbm>>) target(%dma_start3A_129 : memref<128x16xf32, #tpu.memory_space<vmem>>) offsets(%dma_start3A_132 : memref<128xi32, #tpu.memory_space<vmem>>) semaphore(%arg22 : memref<!tpu.dma_semaphore, #tpu.memory_space<semaphore_mem>>)
      %dma_start3A_136 = arith.constant 256 : i32
      %dma_start3A_137 = arith.constant 0 : i32
      %dma_start3A_138 = tpu.memref_slice %arg16[%dma_start3A_136, %dma_start3A_137] : memref<512x16xf32, #tpu.memory_space<vmem>> -> memref<128x16xf32, #tpu.memory_space<vmem>>
      %dma_start3A_139 = arith.constant 0 : i32
      %dma_start3A_140 = arith.constant 0 : i32
      %dma_start3A_141 = tpu.memref_slice %arg6[%dma_start3A_139, %dma_start3A_140] : memref<10000x16xf32, #tpu.memory_space<hbm>> -> memref<10000x16xf32, #tpu.memory_space<hbm>>
      tpu.enqueue_indirect_dma source(%dma_start3A_141 : memref<10000x16xf32, #tpu.memory_space<hbm>>) target(%dma_start3A_138 : memref<128x16xf32, #tpu.memory_space<vmem>>) offsets(%arg12 : memref<128xi32, #tpu.memory_space<vmem>>) semaphore(%arg22 : memref<!tpu.dma_semaphore, #tpu.memory_space<semaphore_mem>>)
      %dma_start3A_142 = arith.constant 3 : i32
      %dma_start3A_143 = arith.constant 384 : i32
      %dma_start3A_144 = arith.constant 0 : i32
      %dma_start3A_145 = tpu.memref_slice %arg15[%dma_start3A_143, %dma_start3A_144] : memref<512x16xf32, #tpu.memory_space<vmem>> -> memref<128x16xf32, #tpu.memory_space<vmem>>
      %dma_start3A_146 = arith.constant 0 : i32
      %dma_start3A_147 = tpu.memref_slice %arg9[%dma_start3A_142, %dma_start3A_146] : memref<4x128xi32, #tpu.memory_space<vmem>> -> memref<1x128xi32, #tpu.memory_space<vmem>>
      %dma_start3A_148 = tpu.memref_squeeze %dma_start3A_147 : memref<1x128xi32, #tpu.memory_space<vmem>> -> memref<128xi32, #tpu.memory_space<vmem>>
      %dma_start3A_149 = arith.constant 0 : i32
      %dma_start3A_150 = arith.constant 0 : i32
      %dma_start3A_151 = tpu.memref_slice %arg5[%dma_start3A_149, %dma_start3A_150] : memref<10000x16xf32, #tpu.memory_space<hbm>> -> memref<10000x16xf32, #tpu.memory_space<hbm>>
      tpu.enqueue_indirect_dma source(%dma_start3A_151 : memref<10000x16xf32, #tpu.memory_space<hbm>>) target(%dma_start3A_145 : memref<128x16xf32, #tpu.memory_space<vmem>>) offsets(%dma_start3A_148 : memref<128xi32, #tpu.memory_space<vmem>>) semaphore(%arg22 : memref<!tpu.dma_semaphore, #tpu.memory_space<semaphore_mem>>)
      %dma_start3A_152 = arith.constant 384 : i32
      %dma_start3A_153 = arith.constant 0 : i32
      %dma_start3A_154 = tpu.memref_slice %arg16[%dma_start3A_152, %dma_start3A_153] : memref<512x16xf32, #tpu.memory_space<vmem>> -> memref<128x16xf32, #tpu.memory_space<vmem>>
      %dma_start3A_155 = arith.constant 0 : i32
      %dma_start3A_156 = arith.constant 0 : i32
      %dma_start3A_157 = tpu.memref_slice %arg6[%dma_start3A_155, %dma_start3A_156] : memref<10000x16xf32, #tpu.memory_space<hbm>> -> memref<10000x16xf32, #tpu.memory_space<hbm>>
      tpu.enqueue_indirect_dma source(%dma_start3A_157 : memref<10000x16xf32, #tpu.memory_space<hbm>>) target(%dma_start3A_154 : memref<128x16xf32, #tpu.memory_space<vmem>>) offsets(%arg13 : memref<128xi32, #tpu.memory_space<vmem>>) semaphore(%arg22 : memref<!tpu.dma_semaphore, #tpu.memory_space<semaphore_mem>>)
      %dma_wait3A_158 = arith.constant 0 : i32
      %dma_wait3A_159 = arith.constant 0 : i32
      %dma_wait3A_160 = arith.constant 0 : i32
      %dma_wait3A_161 = tpu.memref_slice %arg15[%dma_wait3A_159, %dma_wait3A_160] : memref<512x16xf32, #tpu.memory_space<vmem>> -> memref<128x16xf32, #tpu.memory_space<vmem>>
      %dma_wait3A_162 = arith.constant 0 : i32
      %dma_wait3A_163 = tpu.memref_slice %arg9[%dma_wait3A_158, %dma_wait3A_162] : memref<4x128xi32, #tpu.memory_space<vmem>> -> memref<1x128xi32, #tpu.memory_space<vmem>>
      %dma_wait3A_164 = tpu.memref_squeeze %dma_wait3A_163 : memref<1x128xi32, #tpu.memory_space<vmem>> -> memref<128xi32, #tpu.memory_space<vmem>>
      %dma_wait3A_165 = arith.constant 0 : i32
      %dma_wait3A_166 = arith.constant 0 : i32
      %dma_wait3A_167 = tpu.memref_slice %arg5[%dma_wait3A_165, %dma_wait3A_166] : memref<10000x16xf32, #tpu.memory_space<hbm>> -> memref<10000x16xf32, #tpu.memory_space<hbm>>
      tpu.wait_indirect_dma semaphore(%arg22 : memref<!tpu.dma_semaphore, #tpu.memory_space<semaphore_mem>>) src(%dma_wait3A_167 : memref<10000x16xf32, #tpu.memory_space<hbm>>) dst(%dma_wait3A_161 : memref<128x16xf32, #tpu.memory_space<vmem>>)
      %dma_wait3A_168 = arith.constant 0 : i32
      %dma_wait3A_169 = arith.constant 0 : i32
      %dma_wait3A_170 = tpu.memref_slice %arg16[%dma_wait3A_168, %dma_wait3A_169] : memref<512x16xf32, #tpu.memory_space<vmem>> -> memref<128x16xf32, #tpu.memory_space<vmem>>
      %dma_wait3A_171 = arith.constant 0 : i32
      %dma_wait3A_172 = arith.constant 0 : i32
      %dma_wait3A_173 = tpu.memref_slice %arg6[%dma_wait3A_171, %dma_wait3A_172] : memref<10000x16xf32, #tpu.memory_space<hbm>> -> memref<10000x16xf32, #tpu.memory_space<hbm>>
      tpu.wait_indirect_dma semaphore(%arg22 : memref<!tpu.dma_semaphore, #tpu.memory_space<semaphore_mem>>) src(%dma_wait3A_173 : memref<10000x16xf32, #tpu.memory_space<hbm>>) dst(%dma_wait3A_170 : memref<128x16xf32, #tpu.memory_space<vmem>>)
      %dma_wait3A_174 = arith.constant 1 : i32
      %dma_wait3A_175 = arith.constant 128 : i32
      %dma_wait3A_176 = arith.constant 0 : i32
      %dma_wait3A_177 = tpu.memref_slice %arg15[%dma_wait3A_175, %dma_wait3A_176] : memref<512x16xf32, #tpu.memory_space<vmem>> -> memref<128x16xf32, #tpu.memory_space<vmem>>
      %dma_wait3A_178 = arith.constant 0 : i32
      %dma_wait3A_179 = tpu.memref_slice %arg9[%dma_wait3A_174, %dma_wait3A_178] : memref<4x128xi32, #tpu.memory_space<vmem>> -> memref<1x128xi32, #tpu.memory_space<vmem>>
      %dma_wait3A_180 = tpu.memref_squeeze %dma_wait3A_179 : memref<1x128xi32, #tpu.memory_space<vmem>> -> memref<128xi32, #tpu.memory_space<vmem>>
      %dma_wait3A_181 = arith.constant 0 : i32
      %dma_wait3A_182 = arith.constant 0 : i32
      %dma_wait3A_183 = tpu.memref_slice %arg5[%dma_wait3A_181, %dma_wait3A_182] : memref<10000x16xf32, #tpu.memory_space<hbm>> -> memref<10000x16xf32, #tpu.memory_space<hbm>>
      tpu.wait_indirect_dma semaphore(%arg22 : memref<!tpu.dma_semaphore, #tpu.memory_space<semaphore_mem>>) src(%dma_wait3A_183 : memref<10000x16xf32, #tpu.memory_space<hbm>>) dst(%dma_wait3A_177 : memref<128x16xf32, #tpu.memory_space<vmem>>)
      %dma_wait3A_184 = arith.constant 128 : i32
      %dma_wait3A_185 = arith.constant 0 : i32
      %dma_wait3A_186 = tpu.memref_slice %arg16[%dma_wait3A_184, %dma_wait3A_185] : memref<512x16xf32, #tpu.memory_space<vmem>> -> memref<128x16xf32, #tpu.memory_space<vmem>>
      %dma_wait3A_187 = arith.constant 0 : i32
      %dma_wait3A_188 = arith.constant 0 : i32
      %dma_wait3A_189 = tpu.memref_slice %arg6[%dma_wait3A_187, %dma_wait3A_188] : memref<10000x16xf32, #tpu.memory_space<hbm>> -> memref<10000x16xf32, #tpu.memory_space<hbm>>
      tpu.wait_indirect_dma semaphore(%arg22 : memref<!tpu.dma_semaphore, #tpu.memory_space<semaphore_mem>>) src(%dma_wait3A_189 : memref<10000x16xf32, #tpu.memory_space<hbm>>) dst(%dma_wait3A_186 : memref<128x16xf32, #tpu.memory_space<vmem>>)
      %dma_wait3A_190 = arith.constant 2 : i32
      %dma_wait3A_191 = arith.constant 256 : i32
      %dma_wait3A_192 = arith.constant 0 : i32
      %dma_wait3A_193 = tpu.memref_slice %arg15[%dma_wait3A_191, %dma_wait3A_192] : memref<512x16xf32, #tpu.memory_space<vmem>> -> memref<128x16xf32, #tpu.memory_space<vmem>>
      %dma_wait3A_194 = arith.constant 0 : i32
      %dma_wait3A_195 = tpu.memref_slice %arg9[%dma_wait3A_190, %dma_wait3A_194] : memref<4x128xi32, #tpu.memory_space<vmem>> -> memref<1x128xi32, #tpu.memory_space<vmem>>
      %dma_wait3A_196 = tpu.memref_squeeze %dma_wait3A_195 : memref<1x128xi32, #tpu.memory_space<vmem>> -> memref<128xi32, #tpu.memory_space<vmem>>
      %dma_wait3A_197 = arith.constant 0 : i32
      %dma_wait3A_198 = arith.constant 0 : i32
      %dma_wait3A_199 = tpu.memref_slice %arg5[%dma_wait3A_197, %dma_wait3A_198] : memref<10000x16xf32, #tpu.memory_space<hbm>> -> memref<10000x16xf32, #tpu.memory_space<hbm>>
      tpu.wait_indirect_dma semaphore(%arg22 : memref<!tpu.dma_semaphore, #tpu.memory_space<semaphore_mem>>) src(%dma_wait3A_199 : memref<10000x16xf32, #tpu.memory_space<hbm>>) dst(%dma_wait3A_193 : memref<128x16xf32, #tpu.memory_space<vmem>>)
      %dma_wait3A_200 = arith.constant 256 : i32
      %dma_wait3A_201 = arith.constant 0 : i32
      %dma_wait3A_202 = tpu.memref_slice %arg16[%dma_wait3A_200, %dma_wait3A_201] : memref<512x16xf32, #tpu.memory_space<vmem>> -> memref<128x16xf32, #tpu.memory_space<vmem>>
      %dma_wait3A_203 = arith.constant 0 : i32
      %dma_wait3A_204 = arith.constant 0 : i32
      %dma_wait3A_205 = tpu.memref_slice %arg6[%dma_wait3A_203, %dma_wait3A_204] : memref<10000x16xf32, #tpu.memory_space<hbm>> -> memref<10000x16xf32, #tpu.memory_space<hbm>>
      tpu.wait_indirect_dma semaphore(%arg22 : memref<!tpu.dma_semaphore, #tpu.memory_space<semaphore_mem>>) src(%dma_wait3A_205 : memref<10000x16xf32, #tpu.memory_space<hbm>>) dst(%dma_wait3A_202 : memref<128x16xf32, #tpu.memory_space<vmem>>)
      %dma_wait3A_206 = arith.constant 3 : i32
      %dma_wait3A_207 = arith.constant 384 : i32
      %dma_wait3A_208 = arith.constant 0 : i32
      %dma_wait3A_209 = tpu.memref_slice %arg15[%dma_wait3A_207, %dma_wait3A_208] : memref<512x16xf32, #tpu.memory_space<vmem>> -> memref<128x16xf32, #tpu.memory_space<vmem>>
      %dma_wait3A_210 = arith.constant 0 : i32
      %dma_wait3A_211 = tpu.memref_slice %arg9[%dma_wait3A_206, %dma_wait3A_210] : memref<4x128xi32, #tpu.memory_space<vmem>> -> memref<1x128xi32, #tpu.memory_space<vmem>>
      %dma_wait3A_212 = tpu.memref_squeeze %dma_wait3A_211 : memref<1x128xi32, #tpu.memory_space<vmem>> -> memref<128xi32, #tpu.memory_space<vmem>>
      %dma_wait3A_213 = arith.constant 0 : i32
      %dma_wait3A_214 = arith.constant 0 : i32
      %dma_wait3A_215 = tpu.memref_slice %arg5[%dma_wait3A_213, %dma_wait3A_214] : memref<10000x16xf32, #tpu.memory_space<hbm>> -> memref<10000x16xf32, #tpu.memory_space<hbm>>
      tpu.wait_indirect_dma semaphore(%arg22 : memref<!tpu.dma_semaphore, #tpu.memory_space<semaphore_mem>>) src(%dma_wait3A_215 : memref<10000x16xf32, #tpu.memory_space<hbm>>) dst(%dma_wait3A_209 : memref<128x16xf32, #tpu.memory_space<vmem>>)
      %dma_wait3A_216 = arith.constant 384 : i32
      %dma_wait3A_217 = arith.constant 0 : i32
      %dma_wait3A_218 = tpu.memref_slice %arg16[%dma_wait3A_216, %dma_wait3A_217] : memref<512x16xf32, #tpu.memory_space<vmem>> -> memref<128x16xf32, #tpu.memory_space<vmem>>
      %dma_wait3A_219 = arith.constant 0 : i32
      %dma_wait3A_220 = arith.constant 0 : i32
      %dma_wait3A_221 = tpu.memref_slice %arg6[%dma_wait3A_219, %dma_wait3A_220] : memref<10000x16xf32, #tpu.memory_space<hbm>> -> memref<10000x16xf32, #tpu.memory_space<hbm>>
      tpu.wait_indirect_dma semaphore(%arg22 : memref<!tpu.dma_semaphore, #tpu.memory_space<semaphore_mem>>) src(%dma_wait3A_221 : memref<10000x16xf32, #tpu.memory_space<hbm>>) dst(%dma_wait3A_218 : memref<128x16xf32, #tpu.memory_space<vmem>>)
      %scan3A_222 = arith.constant 0 : i32
      %scan3A_223 = arith.constant 32 : i32
      %scan3A_224 = arith.addi %scan3A_222, %scan3A_223 : i32
      %scan3A_225 = arith.constant 1 : i32
      scf.for %scan3A_275 = %scan3A_222 to %scan3A_224 step %scan3A_225  : i32 {
        %mul3A_276 = arith.constant 16 : i32
        %mul3A_277 = arith.muli %scan3A_275, %mul3A_276 : i32
        %add3A_278 = vector.broadcast %mul3A_277 : i32 to vector<16xi32>
        %add3A_279 = arith.addi %add3A_278, %iota3A : vector<16xi32>
        %jit3A = arith.constant 8 : i32
        %div3A = arith.divsi %scan3A_275, %jit3A : i32
        %sign3A = arith.constant 0 : i32
        %sign3A_280 = arith.cmpi sgt, %scan3A_275, %sign3A : i32
        %sign3A_281 = arith.extui %sign3A_280 : i1 to i32
        %sign3A_282 = arith.constant 0 : i32
        %sign3A_283 = arith.cmpi slt, %scan3A_275, %sign3A_282 : i32
        %sign3A_284 = arith.extui %sign3A_283 : i1 to i32
        %sign3A_285 = arith.subi %sign3A_281, %sign3A_284 : i32
        %sign3A_286 = arith.constant 0 : i32
        %sign3A_287 = arith.cmpi sgt, %jit3A, %sign3A_286 : i32
        %sign3A_288 = arith.extui %sign3A_287 : i1 to i32
        %sign3A_289 = arith.constant 0 : i32
        %sign3A_290 = arith.cmpi slt, %jit3A, %sign3A_289 : i32
        %sign3A_291 = arith.extui %sign3A_290 : i1 to i32
        %sign3A_292 = arith.subi %sign3A_288, %sign3A_291 : i32
        %ne3A = arith.cmpi ne, %sign3A_285, %sign3A_292 : i32
        %rem3A = arith.remsi %scan3A_275, %jit3A : i32
        %ne3A_293 = arith.constant 0 : i32
        %ne3A_294 = arith.cmpi ne, %rem3A, %ne3A_293 : i32
        %and3A = arith.andi %ne3A, %ne3A_294 : i1
        %sub3A = arith.constant 1 : i32
        %sub3A_295 = arith.subi %div3A, %sub3A : i32
        %select_n3A = arith.select %and3A, %sub3A_295, %div3A : i32
        %add3A_296 = arith.addi %add3A_21, %select_n3A : i32
        %lt3A = arith.constant 5000 : i32
        %lt3A_297 = arith.cmpi slt, %add3A_296, %lt3A : i32
        %convert_element_type3A = arith.extui %lt3A_297 : i1 to i32
        %convert_element_type3A_298 = arith.sitofp %convert_element_type3A : i32 to f32
        %broadcast_in_dim3A_299 = arith.constant 0.000000e+00 : f32
        %broadcast_in_dim3A_300 = vector.broadcast %broadcast_in_dim3A_299 : f32 to vector<16xf32>
        %broadcast_in_dim3A_301 = arith.constant 0 : i32
        %broadcast_in_dim3A_302 = vector.broadcast %broadcast_in_dim3A_301 : i32 to vector<16xi32>
        %gather3A = tpu.vector_load_idx %arg15[%add3A_279, %broadcast_in_dim3A_302] : memref<512x16xf32, #tpu.memory_space<vmem>>[vector<16xi32>, vector<16xi32>], vector<16xf32>,
        %gather3A_303 = tpu.vector_load_idx %arg16[%add3A_279, %broadcast_in_dim3A_302] : memref<512x16xf32, #tpu.memory_space<vmem>>[vector<16xi32>, vector<16xi32>], vector<16xf32>,
        %get3A = arith.constant 0 : i32
        %get3A_304 = arith.index_cast %get3A : i32 to index
        %get3A_305 = arith.index_cast %mul3A_277 : i32 to index
        %get3A_306 = tpu.vector_load %arg14[%get3A_304, %get3A_305] {strides = array<i32>} : memref<16x512xf32, #tpu.memory_space<vmem>>, vector<16xf32>,
        %add3A_307 = arith.addf %gather3A, %gather3A_303 : vector<16xf32>
        %add3A_308 = arith.addf %add3A_307, %get3A_306 : vector<16xf32>
        %ge3A = arith.constant 0.000000e+00 : f32
        %ge3A_309 = vector.broadcast %ge3A : f32 to vector<16xf32>
        %ge3A_310 = arith.cmpf oge, %add3A_308, %ge3A_309 : vector<16xf32>
        %mul3A_311 = arith.constant 2.000000e-01 : f32
        %mul3A_312 = vector.broadcast %mul3A_311 : f32 to vector<16xf32>
        %mul3A_313 = arith.mulf %mul3A_312, %add3A_308 : vector<16xf32>
        %select_n3A_314 = arith.select %ge3A_310, %add3A_308, %mul3A_313 : vector<16xi1>, vector<16xf32>
        %bitcast_convert_type3A = tpu.bitcast %select_n3A_314 : vector<16xf32> -> vector<16xi32>
        %shift_right_logical3A = arith.constant 16 : i32
        %shift_right_logical3A_315 = vector.broadcast %shift_right_logical3A : i32 to vector<16xi32>
        %shift_right_logical3A_316 = arith.shrui %bitcast_convert_type3A, %shift_right_logical3A_315 : vector<16xi32>
        %and3A_317 = arith.constant 1 : i32
        %and3A_318 = vector.broadcast %and3A_317 : i32 to vector<16xi32>
        %and3A_319 = arith.andi %shift_right_logical3A_316, %and3A_318 : vector<16xi32>
        %add3A_320 = arith.constant 32767 : i32
        %add3A_321 = vector.broadcast %add3A_320 : i32 to vector<16xi32>
        %add3A_322 = arith.addi %add3A_321, %and3A_319 : vector<16xi32>
        %add3A_323 = arith.addi %bitcast_convert_type3A, %add3A_322 : vector<16xi32>
        %and3A_324 = arith.constant -65536 : i32
        %and3A_325 = vector.broadcast %and3A_324 : i32 to vector<16xi32>
        %and3A_326 = arith.andi %add3A_323, %and3A_325 : vector<16xi32>
        %bitcast_convert_type3A_327 = tpu.bitcast %and3A_326 : vector<16xi32> -> vector<16xf32>
        %get3A_328 = arith.constant 0 : i32
        %get3A_329 = arith.index_cast %get3A_328 : i32 to index
        %get3A_330 = arith.constant 0 : index
        %get3A_331 = tpu.vector_load %arg18[%get3A_329, %get3A_330] {strides = array<i32>} : memref<16x16xf32, #tpu.memory_space<vmem>>, vector<16xf32>,
        %mul3A_332 = arith.mulf %get3A_331, %bitcast_convert_type3A_327 : vector<16xf32>
        %add3A_333 = arith.addf %broadcast_in_dim3A_300, %mul3A_332 : vector<16xf32>
        %broadcast_in_dim3A_334 = arith.constant 1 : i32
        %broadcast_in_dim3A_335 = vector.broadcast %broadcast_in_dim3A_334 : i32 to vector<16xi32>
        %gather3A_336 = tpu.vector_load_idx %arg15[%add3A_279, %broadcast_in_dim3A_335] : memref<512x16xf32, #tpu.memory_space<vmem>>[vector<16xi32>, vector<16xi32>], vector<16xf32>,
        %gather3A_337 = tpu.vector_load_idx %arg16[%add3A_279, %broadcast_in_dim3A_335] : memref<512x16xf32, #tpu.memory_space<vmem>>[vector<16xi32>, vector<16xi32>], vector<16xf32>,
        %get3A_338 = arith.constant 1 : i32
        %get3A_339 = arith.index_cast %get3A_338 : i32 to index
        %get3A_340 = arith.index_cast %mul3A_277 : i32 to index
        %get3A_341 = tpu.vector_load %arg14[%get3A_339, %get3A_340] {strides = array<i32>} : memref<16x512xf32, #tpu.memory_space<vmem>>, vector<16xf32>,
        %add3A_342 = arith.addf %gather3A_336, %gather3A_337 : vector<16xf32>
        %add3A_343 = arith.addf %add3A_342, %get3A_341 : vector<16xf32>
        %ge3A_344 = arith.constant 0.000000e+00 : f32
        %ge3A_345 = vector.broadcast %ge3A_344 : f32 to vector<16xf32>
        %ge3A_346 = arith.cmpf oge, %add3A_343, %ge3A_345 : vector<16xf32>
        %mul3A_347 = arith.constant 2.000000e-01 : f32
        %mul3A_348 = vector.broadcast %mul3A_347 : f32 to vector<16xf32>
        %mul3A_349 = arith.mulf %mul3A_348, %add3A_343 : vector<16xf32>
        %select_n3A_350 = arith.select %ge3A_346, %add3A_343, %mul3A_349 : vector<16xi1>, vector<16xf32>
        %bitcast_convert_type3A_351 = tpu.bitcast %select_n3A_350 : vector<16xf32> -> vector<16xi32>
        %shift_right_logical3A_352 = arith.constant 16 : i32
        %shift_right_logical3A_353 = vector.broadcast %shift_right_logical3A_352 : i32 to vector<16xi32>
        %shift_right_logical3A_354 = arith.shrui %bitcast_convert_type3A_351, %shift_right_logical3A_353 : vector<16xi32>
        %and3A_355 = arith.constant 1 : i32
        %and3A_356 = vector.broadcast %and3A_355 : i32 to vector<16xi32>
        %and3A_357 = arith.andi %shift_right_logical3A_354, %and3A_356 : vector<16xi32>
        %add3A_358 = arith.constant 32767 : i32
        %add3A_359 = vector.broadcast %add3A_358 : i32 to vector<16xi32>
        %add3A_360 = arith.addi %add3A_359, %and3A_357 : vector<16xi32>
        %add3A_361 = arith.addi %bitcast_convert_type3A_351, %add3A_360 : vector<16xi32>
        %and3A_362 = arith.constant -65536 : i32
        %and3A_363 = vector.broadcast %and3A_362 : i32 to vector<16xi32>
        %and3A_364 = arith.andi %add3A_361, %and3A_363 : vector<16xi32>
        %bitcast_convert_type3A_365 = tpu.bitcast %and3A_364 : vector<16xi32> -> vector<16xf32>
        %get3A_366 = arith.constant 1 : i32
        %get3A_367 = arith.index_cast %get3A_366 : i32 to index
        %get3A_368 = arith.constant 0 : index
        %get3A_369 = tpu.vector_load %arg18[%get3A_367, %get3A_368] {strides = array<i32>} : memref<16x16xf32, #tpu.memory_space<vmem>>, vector<16xf32>,
        %mul3A_370 = arith.mulf %get3A_369, %bitcast_convert_type3A_365 : vector<16xf32>
        %add3A_371 = arith.addf %add3A_333, %mul3A_370 : vector<16xf32>
        %broadcast_in_dim3A_372 = arith.constant 2 : i32
        %broadcast_in_dim3A_373 = vector.broadcast %broadcast_in_dim3A_372 : i32 to vector<16xi32>
        %gather3A_374 = tpu.vector_load_idx %arg15[%add3A_279, %broadcast_in_dim3A_373] : memref<512x16xf32, #tpu.memory_space<vmem>>[vector<16xi32>, vector<16xi32>], vector<16xf32>,
        %gather3A_375 = tpu.vector_load_idx %arg16[%add3A_279, %broadcast_in_dim3A_373] : memref<512x16xf32, #tpu.memory_space<vmem>>[vector<16xi32>, vector<16xi32>], vector<16xf32>,
        %get3A_376 = arith.constant 2 : i32
        %get3A_377 = arith.index_cast %get3A_376 : i32 to index
        %get3A_378 = arith.index_cast %mul3A_277 : i32 to index
        %get3A_379 = tpu.vector_load %arg14[%get3A_377, %get3A_378] {strides = array<i32>} : memref<16x512xf32, #tpu.memory_space<vmem>>, vector<16xf32>,
        %add3A_380 = arith.addf %gather3A_374, %gather3A_375 : vector<16xf32>
        %add3A_381 = arith.addf %add3A_380, %get3A_379 : vector<16xf32>
        %ge3A_382 = arith.constant 0.000000e+00 : f32
        %ge3A_383 = vector.broadcast %ge3A_382 : f32 to vector<16xf32>
        %ge3A_384 = arith.cmpf oge, %add3A_381, %ge3A_383 : vector<16xf32>
        %mul3A_385 = arith.constant 2.000000e-01 : f32
        %mul3A_386 = vector.broadcast %mul3A_385 : f32 to vector<16xf32>
        %mul3A_387 = arith.mulf %mul3A_386, %add3A_381 : vector<16xf32>
        %select_n3A_388 = arith.select %ge3A_384, %add3A_381, %mul3A_387 : vector<16xi1>, vector<16xf32>
        %bitcast_convert_type3A_389 = tpu.bitcast %select_n3A_388 : vector<16xf32> -> vector<16xi32>
        %shift_right_logical3A_390 = arith.constant 16 : i32
        %shift_right_logical3A_391 = vector.broadcast %shift_right_logical3A_390 : i32 to vector<16xi32>
        %shift_right_logical3A_392 = arith.shrui %bitcast_convert_type3A_389, %shift_right_logical3A_391 : vector<16xi32>
        %and3A_393 = arith.constant 1 : i32
        %and3A_394 = vector.broadcast %and3A_393 : i32 to vector<16xi32>
        %and3A_395 = arith.andi %shift_right_logical3A_392, %and3A_394 : vector<16xi32>
        %add3A_396 = arith.constant 32767 : i32
        %add3A_397 = vector.broadcast %add3A_396 : i32 to vector<16xi32>
        %add3A_398 = arith.addi %add3A_397, %and3A_395 : vector<16xi32>
        %add3A_399 = arith.addi %bitcast_convert_type3A_389, %add3A_398 : vector<16xi32>
        %and3A_400 = arith.constant -65536 : i32
        %and3A_401 = vector.broadcast %and3A_400 : i32 to vector<16xi32>
        %and3A_402 = arith.andi %add3A_399, %and3A_401 : vector<16xi32>
        %bitcast_convert_type3A_403 = tpu.bitcast %and3A_402 : vector<16xi32> -> vector<16xf32>
        %get3A_404 = arith.constant 2 : i32
        %get3A_405 = arith.index_cast %get3A_404 : i32 to index
        %get3A_406 = arith.constant 0 : index
        %get3A_407 = tpu.vector_load %arg18[%get3A_405, %get3A_406] {strides = array<i32>} : memref<16x16xf32, #tpu.memory_space<vmem>>, vector<16xf32>,
        %mul3A_408 = arith.mulf %get3A_407, %bitcast_convert_type3A_403 : vector<16xf32>
        %add3A_409 = arith.addf %add3A_371, %mul3A_408 : vector<16xf32>
        %broadcast_in_dim3A_410 = arith.constant 3 : i32
        %broadcast_in_dim3A_411 = vector.broadcast %broadcast_in_dim3A_410 : i32 to vector<16xi32>
        %gather3A_412 = tpu.vector_load_idx %arg15[%add3A_279, %broadcast_in_dim3A_411] : memref<512x16xf32, #tpu.memory_space<vmem>>[vector<16xi32>, vector<16xi32>], vector<16xf32>,
        %gather3A_413 = tpu.vector_load_idx %arg16[%add3A_279, %broadcast_in_dim3A_411] : memref<512x16xf32, #tpu.memory_space<vmem>>[vector<16xi32>, vector<16xi32>], vector<16xf32>,
        %get3A_414 = arith.constant 3 : i32
        %get3A_415 = arith.index_cast %get3A_414 : i32 to index
        %get3A_416 = arith.index_cast %mul3A_277 : i32 to index
        %get3A_417 = tpu.vector_load %arg14[%get3A_415, %get3A_416] {strides = array<i32>} : memref<16x512xf32, #tpu.memory_space<vmem>>, vector<16xf32>,
        %add3A_418 = arith.addf %gather3A_412, %gather3A_413 : vector<16xf32>
        %add3A_419 = arith.addf %add3A_418, %get3A_417 : vector<16xf32>
        %ge3A_420 = arith.constant 0.000000e+00 : f32
        %ge3A_421 = vector.broadcast %ge3A_420 : f32 to vector<16xf32>
        %ge3A_422 = arith.cmpf oge, %add3A_419, %ge3A_421 : vector<16xf32>
        %mul3A_423 = arith.constant 2.000000e-01 : f32
        %mul3A_424 = vector.broadcast %mul3A_423 : f32 to vector<16xf32>
        %mul3A_425 = arith.mulf %mul3A_424, %add3A_419 : vector<16xf32>
        %select_n3A_426 = arith.select %ge3A_422, %add3A_419, %mul3A_425 : vector<16xi1>, vector<16xf32>
        %bitcast_convert_type3A_427 = tpu.bitcast %select_n3A_426 : vector<16xf32> -> vector<16xi32>
        %shift_right_logical3A_428 = arith.constant 16 : i32
        %shift_right_logical3A_429 = vector.broadcast %shift_right_logical3A_428 : i32 to vector<16xi32>
        %shift_right_logical3A_430 = arith.shrui %bitcast_convert_type3A_427, %shift_right_logical3A_429 : vector<16xi32>
        %and3A_431 = arith.constant 1 : i32
        %and3A_432 = vector.broadcast %and3A_431 : i32 to vector<16xi32>
        %and3A_433 = arith.andi %shift_right_logical3A_430, %and3A_432 : vector<16xi32>
        %add3A_434 = arith.constant 32767 : i32
        %add3A_435 = vector.broadcast %add3A_434 : i32 to vector<16xi32>
        %add3A_436 = arith.addi %add3A_435, %and3A_433 : vector<16xi32>
        %add3A_437 = arith.addi %bitcast_convert_type3A_427, %add3A_436 : vector<16xi32>
        %and3A_438 = arith.constant -65536 : i32
        %and3A_439 = vector.broadcast %and3A_438 : i32 to vector<16xi32>
        %and3A_440 = arith.andi %add3A_437, %and3A_439 : vector<16xi32>
        %bitcast_convert_type3A_441 = tpu.bitcast %and3A_440 : vector<16xi32> -> vector<16xf32>
        %get3A_442 = arith.constant 3 : i32
        %get3A_443 = arith.index_cast %get3A_442 : i32 to index
        %get3A_444 = arith.constant 0 : index
        %get3A_445 = tpu.vector_load %arg18[%get3A_443, %get3A_444] {strides = array<i32>} : memref<16x16xf32, #tpu.memory_space<vmem>>, vector<16xf32>,
        %mul3A_446 = arith.mulf %get3A_445, %bitcast_convert_type3A_441 : vector<16xf32>
        %add3A_447 = arith.addf %add3A_409, %mul3A_446 : vector<16xf32>
        %broadcast_in_dim3A_448 = arith.constant 4 : i32
        %broadcast_in_dim3A_449 = vector.broadcast %broadcast_in_dim3A_448 : i32 to vector<16xi32>
        %gather3A_450 = tpu.vector_load_idx %arg15[%add3A_279, %broadcast_in_dim3A_449] : memref<512x16xf32, #tpu.memory_space<vmem>>[vector<16xi32>, vector<16xi32>], vector<16xf32>,
        %gather3A_451 = tpu.vector_load_idx %arg16[%add3A_279, %broadcast_in_dim3A_449] : memref<512x16xf32, #tpu.memory_space<vmem>>[vector<16xi32>, vector<16xi32>], vector<16xf32>,
        %get3A_452 = arith.constant 4 : i32
        %get3A_453 = arith.index_cast %get3A_452 : i32 to index
        %get3A_454 = arith.index_cast %mul3A_277 : i32 to index
        %get3A_455 = tpu.vector_load %arg14[%get3A_453, %get3A_454] {strides = array<i32>} : memref<16x512xf32, #tpu.memory_space<vmem>>, vector<16xf32>,
        %add3A_456 = arith.addf %gather3A_450, %gather3A_451 : vector<16xf32>
        %add3A_457 = arith.addf %add3A_456, %get3A_455 : vector<16xf32>
        %ge3A_458 = arith.constant 0.000000e+00 : f32
        %ge3A_459 = vector.broadcast %ge3A_458 : f32 to vector<16xf32>
        %ge3A_460 = arith.cmpf oge, %add3A_457, %ge3A_459 : vector<16xf32>
        %mul3A_461 = arith.constant 2.000000e-01 : f32
        %mul3A_462 = vector.broadcast %mul3A_461 : f32 to vector<16xf32>
        %mul3A_463 = arith.mulf %mul3A_462, %add3A_457 : vector<16xf32>
        %select_n3A_464 = arith.select %ge3A_460, %add3A_457, %mul3A_463 : vector<16xi1>, vector<16xf32>
        %bitcast_convert_type3A_465 = tpu.bitcast %select_n3A_464 : vector<16xf32> -> vector<16xi32>
        %shift_right_logical3A_466 = arith.constant 16 : i32
        %shift_right_logical3A_467 = vector.broadcast %shift_right_logical3A_466 : i32 to vector<16xi32>
        %shift_right_logical3A_468 = arith.shrui %bitcast_convert_type3A_465, %shift_right_logical3A_467 : vector<16xi32>
        %and3A_469 = arith.constant 1 : i32
        %and3A_470 = vector.broadcast %and3A_469 : i32 to vector<16xi32>
        %and3A_471 = arith.andi %shift_right_logical3A_468, %and3A_470 : vector<16xi32>
        %add3A_472 = arith.constant 32767 : i32
        %add3A_473 = vector.broadcast %add3A_472 : i32 to vector<16xi32>
        %add3A_474 = arith.addi %add3A_473, %and3A_471 : vector<16xi32>
        %add3A_475 = arith.addi %bitcast_convert_type3A_465, %add3A_474 : vector<16xi32>
        %and3A_476 = arith.constant -65536 : i32
        %and3A_477 = vector.broadcast %and3A_476 : i32 to vector<16xi32>
        %and3A_478 = arith.andi %add3A_475, %and3A_477 : vector<16xi32>
        %bitcast_convert_type3A_479 = tpu.bitcast %and3A_478 : vector<16xi32> -> vector<16xf32>
        %get3A_480 = arith.constant 4 : i32
        %get3A_481 = arith.index_cast %get3A_480 : i32 to index
        %get3A_482 = arith.constant 0 : index
        %get3A_483 = tpu.vector_load %arg18[%get3A_481, %get3A_482] {strides = array<i32>} : memref<16x16xf32, #tpu.memory_space<vmem>>, vector<16xf32>,
        %mul3A_484 = arith.mulf %get3A_483, %bitcast_convert_type3A_479 : vector<16xf32>
        %add3A_485 = arith.addf %add3A_447, %mul3A_484 : vector<16xf32>
        %broadcast_in_dim3A_486 = arith.constant 5 : i32
        %broadcast_in_dim3A_487 = vector.broadcast %broadcast_in_dim3A_486 : i32 to vector<16xi32>
        %gather3A_488 = tpu.vector_load_idx %arg15[%add3A_279, %broadcast_in_dim3A_487] : memref<512x16xf32, #tpu.memory_space<vmem>>[vector<16xi32>, vector<16xi32>], vector<16xf32>,
        %gather3A_489 = tpu.vector_load_idx %arg16[%add3A_279, %broadcast_in_dim3A_487] : memref<512x16xf32, #tpu.memory_space<vmem>>[vector<16xi32>, vector<16xi32>], vector<16xf32>,
        %get3A_490 = arith.constant 5 : i32
        %get3A_491 = arith.index_cast %get3A_490 : i32 to index
        %get3A_492 = arith.index_cast %mul3A_277 : i32 to index
        %get3A_493 = tpu.vector_load %arg14[%get3A_491, %get3A_492] {strides = array<i32>} : memref<16x512xf32, #tpu.memory_space<vmem>>, vector<16xf32>,
        %add3A_494 = arith.addf %gather3A_488, %gather3A_489 : vector<16xf32>
        %add3A_495 = arith.addf %add3A_494, %get3A_493 : vector<16xf32>
        %ge3A_496 = arith.constant 0.000000e+00 : f32
        %ge3A_497 = vector.broadcast %ge3A_496 : f32 to vector<16xf32>
        %ge3A_498 = arith.cmpf oge, %add3A_495, %ge3A_497 : vector<16xf32>
        %mul3A_499 = arith.constant 2.000000e-01 : f32
        %mul3A_500 = vector.broadcast %mul3A_499 : f32 to vector<16xf32>
        %mul3A_501 = arith.mulf %mul3A_500, %add3A_495 : vector<16xf32>
        %select_n3A_502 = arith.select %ge3A_498, %add3A_495, %mul3A_501 : vector<16xi1>, vector<16xf32>
        %bitcast_convert_type3A_503 = tpu.bitcast %select_n3A_502 : vector<16xf32> -> vector<16xi32>
        %shift_right_logical3A_504 = arith.constant 16 : i32
        %shift_right_logical3A_505 = vector.broadcast %shift_right_logical3A_504 : i32 to vector<16xi32>
        %shift_right_logical3A_506 = arith.shrui %bitcast_convert_type3A_503, %shift_right_logical3A_505 : vector<16xi32>
        %and3A_507 = arith.constant 1 : i32
        %and3A_508 = vector.broadcast %and3A_507 : i32 to vector<16xi32>
        %and3A_509 = arith.andi %shift_right_logical3A_506, %and3A_508 : vector<16xi32>
        %add3A_510 = arith.constant 32767 : i32
        %add3A_511 = vector.broadcast %add3A_510 : i32 to vector<16xi32>
        %add3A_512 = arith.addi %add3A_511, %and3A_509 : vector<16xi32>
        %add3A_513 = arith.addi %bitcast_convert_type3A_503, %add3A_512 : vector<16xi32>
        %and3A_514 = arith.constant -65536 : i32
        %and3A_515 = vector.broadcast %and3A_514 : i32 to vector<16xi32>
        %and3A_516 = arith.andi %add3A_513, %and3A_515 : vector<16xi32>
        %bitcast_convert_type3A_517 = tpu.bitcast %and3A_516 : vector<16xi32> -> vector<16xf32>
        %get3A_518 = arith.constant 5 : i32
        %get3A_519 = arith.index_cast %get3A_518 : i32 to index
        %get3A_520 = arith.constant 0 : index
        %get3A_521 = tpu.vector_load %arg18[%get3A_519, %get3A_520] {strides = array<i32>} : memref<16x16xf32, #tpu.memory_space<vmem>>, vector<16xf32>,
        %mul3A_522 = arith.mulf %get3A_521, %bitcast_convert_type3A_517 : vector<16xf32>
        %add3A_523 = arith.addf %add3A_485, %mul3A_522 : vector<16xf32>
        %broadcast_in_dim3A_524 = arith.constant 6 : i32
        %broadcast_in_dim3A_525 = vector.broadcast %broadcast_in_dim3A_524 : i32 to vector<16xi32>
        %gather3A_526 = tpu.vector_load_idx %arg15[%add3A_279, %broadcast_in_dim3A_525] : memref<512x16xf32, #tpu.memory_space<vmem>>[vector<16xi32>, vector<16xi32>], vector<16xf32>,
        %gather3A_527 = tpu.vector_load_idx %arg16[%add3A_279, %broadcast_in_dim3A_525] : memref<512x16xf32, #tpu.memory_space<vmem>>[vector<16xi32>, vector<16xi32>], vector<16xf32>,
        %get3A_528 = arith.constant 6 : i32
        %get3A_529 = arith.index_cast %get3A_528 : i32 to index
        %get3A_530 = arith.index_cast %mul3A_277 : i32 to index
        %get3A_531 = tpu.vector_load %arg14[%get3A_529, %get3A_530] {strides = array<i32>} : memref<16x512xf32, #tpu.memory_space<vmem>>, vector<16xf32>,
        %add3A_532 = arith.addf %gather3A_526, %gather3A_527 : vector<16xf32>
        %add3A_533 = arith.addf %add3A_532, %get3A_531 : vector<16xf32>
        %ge3A_534 = arith.constant 0.000000e+00 : f32
        %ge3A_535 = vector.broadcast %ge3A_534 : f32 to vector<16xf32>
        %ge3A_536 = arith.cmpf oge, %add3A_533, %ge3A_535 : vector<16xf32>
        %mul3A_537 = arith.constant 2.000000e-01 : f32
        %mul3A_538 = vector.broadcast %mul3A_537 : f32 to vector<16xf32>
        %mul3A_539 = arith.mulf %mul3A_538, %add3A_533 : vector<16xf32>
        %select_n3A_540 = arith.select %ge3A_536, %add3A_533, %mul3A_539 : vector<16xi1>, vector<16xf32>
        %bitcast_convert_type3A_541 = tpu.bitcast %select_n3A_540 : vector<16xf32> -> vector<16xi32>
        %shift_right_logical3A_542 = arith.constant 16 : i32
        %shift_right_logical3A_543 = vector.broadcast %shift_right_logical3A_542 : i32 to vector<16xi32>
        %shift_right_logical3A_544 = arith.shrui %bitcast_convert_type3A_541, %shift_right_logical3A_543 : vector<16xi32>
        %and3A_545 = arith.constant 1 : i32
        %and3A_546 = vector.broadcast %and3A_545 : i32 to vector<16xi32>
        %and3A_547 = arith.andi %shift_right_logical3A_544, %and3A_546 : vector<16xi32>
        %add3A_548 = arith.constant 32767 : i32
        %add3A_549 = vector.broadcast %add3A_548 : i32 to vector<16xi32>
        %add3A_550 = arith.addi %add3A_549, %and3A_547 : vector<16xi32>
        %add3A_551 = arith.addi %bitcast_convert_type3A_541, %add3A_550 : vector<16xi32>
        %and3A_552 = arith.constant -65536 : i32
        %and3A_553 = vector.broadcast %and3A_552 : i32 to vector<16xi32>
        %and3A_554 = arith.andi %add3A_551, %and3A_553 : vector<16xi32>
        %bitcast_convert_type3A_555 = tpu.bitcast %and3A_554 : vector<16xi32> -> vector<16xf32>
        %get3A_556 = arith.constant 6 : i32
        %get3A_557 = arith.index_cast %get3A_556 : i32 to index
        %get3A_558 = arith.constant 0 : index
        %get3A_559 = tpu.vector_load %arg18[%get3A_557, %get3A_558] {strides = array<i32>} : memref<16x16xf32, #tpu.memory_space<vmem>>, vector<16xf32>,
        %mul3A_560 = arith.mulf %get3A_559, %bitcast_convert_type3A_555 : vector<16xf32>
        %add3A_561 = arith.addf %add3A_523, %mul3A_560 : vector<16xf32>
        %broadcast_in_dim3A_562 = arith.constant 7 : i32
        %broadcast_in_dim3A_563 = vector.broadcast %broadcast_in_dim3A_562 : i32 to vector<16xi32>
        %gather3A_564 = tpu.vector_load_idx %arg15[%add3A_279, %broadcast_in_dim3A_563] : memref<512x16xf32, #tpu.memory_space<vmem>>[vector<16xi32>, vector<16xi32>], vector<16xf32>,
        %gather3A_565 = tpu.vector_load_idx %arg16[%add3A_279, %broadcast_in_dim3A_563] : memref<512x16xf32, #tpu.memory_space<vmem>>[vector<16xi32>, vector<16xi32>], vector<16xf32>,
        %get3A_566 = arith.constant 7 : i32
        %get3A_567 = arith.index_cast %get3A_566 : i32 to index
        %get3A_568 = arith.index_cast %mul3A_277 : i32 to index
        %get3A_569 = tpu.vector_load %arg14[%get3A_567, %get3A_568] {strides = array<i32>} : memref<16x512xf32, #tpu.memory_space<vmem>>, vector<16xf32>,
        %add3A_570 = arith.addf %gather3A_564, %gather3A_565 : vector<16xf32>
        %add3A_571 = arith.addf %add3A_570, %get3A_569 : vector<16xf32>
        %ge3A_572 = arith.constant 0.000000e+00 : f32
        %ge3A_573 = vector.broadcast %ge3A_572 : f32 to vector<16xf32>
        %ge3A_574 = arith.cmpf oge, %add3A_571, %ge3A_573 : vector<16xf32>
        %mul3A_575 = arith.constant 2.000000e-01 : f32
        %mul3A_576 = vector.broadcast %mul3A_575 : f32 to vector<16xf32>
        %mul3A_577 = arith.mulf %mul3A_576, %add3A_571 : vector<16xf32>
        %select_n3A_578 = arith.select %ge3A_574, %add3A_571, %mul3A_577 : vector<16xi1>, vector<16xf32>
        %bitcast_convert_type3A_579 = tpu.bitcast %select_n3A_578 : vector<16xf32> -> vector<16xi32>
        %shift_right_logical3A_580 = arith.constant 16 : i32
        %shift_right_logical3A_581 = vector.broadcast %shift_right_logical3A_580 : i32 to vector<16xi32>
        %shift_right_logical3A_582 = arith.shrui %bitcast_convert_type3A_579, %shift_right_logical3A_581 : vector<16xi32>
        %and3A_583 = arith.constant 1 : i32
        %and3A_584 = vector.broadcast %and3A_583 : i32 to vector<16xi32>
        %and3A_585 = arith.andi %shift_right_logical3A_582, %and3A_584 : vector<16xi32>
        %add3A_586 = arith.constant 32767 : i32
        %add3A_587 = vector.broadcast %add3A_586 : i32 to vector<16xi32>
        %add3A_588 = arith.addi %add3A_587, %and3A_585 : vector<16xi32>
        %add3A_589 = arith.addi %bitcast_convert_type3A_579, %add3A_588 : vector<16xi32>
        %and3A_590 = arith.constant -65536 : i32
        %and3A_591 = vector.broadcast %and3A_590 : i32 to vector<16xi32>
        %and3A_592 = arith.andi %add3A_589, %and3A_591 : vector<16xi32>
        %bitcast_convert_type3A_593 = tpu.bitcast %and3A_592 : vector<16xi32> -> vector<16xf32>
        %get3A_594 = arith.constant 7 : i32
        %get3A_595 = arith.index_cast %get3A_594 : i32 to index
        %get3A_596 = arith.constant 0 : index
        %get3A_597 = tpu.vector_load %arg18[%get3A_595, %get3A_596] {strides = array<i32>} : memref<16x16xf32, #tpu.memory_space<vmem>>, vector<16xf32>,
        %mul3A_598 = arith.mulf %get3A_597, %bitcast_convert_type3A_593 : vector<16xf32>
        %add3A_599 = arith.addf %add3A_561, %mul3A_598 : vector<16xf32>
        %broadcast_in_dim3A_600 = arith.constant 8 : i32
        %broadcast_in_dim3A_601 = vector.broadcast %broadcast_in_dim3A_600 : i32 to vector<16xi32>
        %gather3A_602 = tpu.vector_load_idx %arg15[%add3A_279, %broadcast_in_dim3A_601] : memref<512x16xf32, #tpu.memory_space<vmem>>[vector<16xi32>, vector<16xi32>], vector<16xf32>,
        %gather3A_603 = tpu.vector_load_idx %arg16[%add3A_279, %broadcast_in_dim3A_601] : memref<512x16xf32, #tpu.memory_space<vmem>>[vector<16xi32>, vector<16xi32>], vector<16xf32>,
        %get3A_604 = arith.constant 8 : i32
        %get3A_605 = arith.index_cast %get3A_604 : i32 to index
        %get3A_606 = arith.index_cast %mul3A_277 : i32 to index
        %get3A_607 = tpu.vector_load %arg14[%get3A_605, %get3A_606] {strides = array<i32>} : memref<16x512xf32, #tpu.memory_space<vmem>>, vector<16xf32>,
        %add3A_608 = arith.addf %gather3A_602, %gather3A_603 : vector<16xf32>
        %add3A_609 = arith.addf %add3A_608, %get3A_607 : vector<16xf32>
        %ge3A_610 = arith.constant 0.000000e+00 : f32
        %ge3A_611 = vector.broadcast %ge3A_610 : f32 to vector<16xf32>
        %ge3A_612 = arith.cmpf oge, %add3A_609, %ge3A_611 : vector<16xf32>
        %mul3A_613 = arith.constant 2.000000e-01 : f32
        %mul3A_614 = vector.broadcast %mul3A_613 : f32 to vector<16xf32>
        %mul3A_615 = arith.mulf %mul3A_614, %add3A_609 : vector<16xf32>
        %select_n3A_616 = arith.select %ge3A_612, %add3A_609, %mul3A_615 : vector<16xi1>, vector<16xf32>
        %bitcast_convert_type3A_617 = tpu.bitcast %select_n3A_616 : vector<16xf32> -> vector<16xi32>
        %shift_right_logical3A_618 = arith.constant 16 : i32
        %shift_right_logical3A_619 = vector.broadcast %shift_right_logical3A_618 : i32 to vector<16xi32>
        %shift_right_logical3A_620 = arith.shrui %bitcast_convert_type3A_617, %shift_right_logical3A_619 : vector<16xi32>
        %and3A_621 = arith.constant 1 : i32
        %and3A_622 = vector.broadcast %and3A_621 : i32 to vector<16xi32>
        %and3A_623 = arith.andi %shift_right_logical3A_620, %and3A_622 : vector<16xi32>
        %add3A_624 = arith.constant 32767 : i32
        %add3A_625 = vector.broadcast %add3A_624 : i32 to vector<16xi32>
        %add3A_626 = arith.addi %add3A_625, %and3A_623 : vector<16xi32>
        %add3A_627 = arith.addi %bitcast_convert_type3A_617, %add3A_626 : vector<16xi32>
        %and3A_628 = arith.constant -65536 : i32
        %and3A_629 = vector.broadcast %and3A_628 : i32 to vector<16xi32>
        %and3A_630 = arith.andi %add3A_627, %and3A_629 : vector<16xi32>
        %bitcast_convert_type3A_631 = tpu.bitcast %and3A_630 : vector<16xi32> -> vector<16xf32>
        %get3A_632 = arith.constant 8 : i32
        %get3A_633 = arith.index_cast %get3A_632 : i32 to index
        %get3A_634 = arith.constant 0 : index
        %get3A_635 = tpu.vector_load %arg18[%get3A_633, %get3A_634] {strides = array<i32>} : memref<16x16xf32, #tpu.memory_space<vmem>>, vector<16xf32>,
        %mul3A_636 = arith.mulf %get3A_635, %bitcast_convert_type3A_631 : vector<16xf32>
        %add3A_637 = arith.addf %add3A_599, %mul3A_636 : vector<16xf32>
        %broadcast_in_dim3A_638 = arith.constant 9 : i32
        %broadcast_in_dim3A_639 = vector.broadcast %broadcast_in_dim3A_638 : i32 to vector<16xi32>
        %gather3A_640 = tpu.vector_load_idx %arg15[%add3A_279, %broadcast_in_dim3A_639] : memref<512x16xf32, #tpu.memory_space<vmem>>[vector<16xi32>, vector<16xi32>], vector<16xf32>,
        %gather3A_641 = tpu.vector_load_idx %arg16[%add3A_279, %broadcast_in_dim3A_639] : memref<512x16xf32, #tpu.memory_space<vmem>>[vector<16xi32>, vector<16xi32>], vector<16xf32>,
        %get3A_642 = arith.constant 9 : i32
        %get3A_643 = arith.index_cast %get3A_642 : i32 to index
        %get3A_644 = arith.index_cast %mul3A_277 : i32 to index
        %get3A_645 = tpu.vector_load %arg14[%get3A_643, %get3A_644] {strides = array<i32>} : memref<16x512xf32, #tpu.memory_space<vmem>>, vector<16xf32>,
        %add3A_646 = arith.addf %gather3A_640, %gather3A_641 : vector<16xf32>
        %add3A_647 = arith.addf %add3A_646, %get3A_645 : vector<16xf32>
        %ge3A_648 = arith.constant 0.000000e+00 : f32
        %ge3A_649 = vector.broadcast %ge3A_648 : f32 to vector<16xf32>
        %ge3A_650 = arith.cmpf oge, %add3A_647, %ge3A_649 : vector<16xf32>
        %mul3A_651 = arith.constant 2.000000e-01 : f32
        %mul3A_652 = vector.broadcast %mul3A_651 : f32 to vector<16xf32>
        %mul3A_653 = arith.mulf %mul3A_652, %add3A_647 : vector<16xf32>
        %select_n3A_654 = arith.select %ge3A_650, %add3A_647, %mul3A_653 : vector<16xi1>, vector<16xf32>
        %bitcast_convert_type3A_655 = tpu.bitcast %select_n3A_654 : vector<16xf32> -> vector<16xi32>
        %shift_right_logical3A_656 = arith.constant 16 : i32
        %shift_right_logical3A_657 = vector.broadcast %shift_right_logical3A_656 : i32 to vector<16xi32>
        %shift_right_logical3A_658 = arith.shrui %bitcast_convert_type3A_655, %shift_right_logical3A_657 : vector<16xi32>
        %and3A_659 = arith.constant 1 : i32
        %and3A_660 = vector.broadcast %and3A_659 : i32 to vector<16xi32>
        %and3A_661 = arith.andi %shift_right_logical3A_658, %and3A_660 : vector<16xi32>
        %add3A_662 = arith.constant 32767 : i32
        %add3A_663 = vector.broadcast %add3A_662 : i32 to vector<16xi32>
        %add3A_664 = arith.addi %add3A_663, %and3A_661 : vector<16xi32>
        %add3A_665 = arith.addi %bitcast_convert_type3A_655, %add3A_664 : vector<16xi32>
        %and3A_666 = arith.constant -65536 : i32
        %and3A_667 = vector.broadcast %and3A_666 : i32 to vector<16xi32>
        %and3A_668 = arith.andi %add3A_665, %and3A_667 : vector<16xi32>
        %bitcast_convert_type3A_669 = tpu.bitcast %and3A_668 : vector<16xi32> -> vector<16xf32>
        %get3A_670 = arith.constant 9 : i32
        %get3A_671 = arith.index_cast %get3A_670 : i32 to index
        %get3A_672 = arith.constant 0 : index
        %get3A_673 = tpu.vector_load %arg18[%get3A_671, %get3A_672] {strides = array<i32>} : memref<16x16xf32, #tpu.memory_space<vmem>>, vector<16xf32>,
        %mul3A_674 = arith.mulf %get3A_673, %bitcast_convert_type3A_669 : vector<16xf32>
        %add3A_675 = arith.addf %add3A_637, %mul3A_674 : vector<16xf32>
        %broadcast_in_dim3A_676 = arith.constant 10 : i32
        %broadcast_in_dim3A_677 = vector.broadcast %broadcast_in_dim3A_676 : i32 to vector<16xi32>
        %gather3A_678 = tpu.vector_load_idx %arg15[%add3A_279, %broadcast_in_dim3A_677] : memref<512x16xf32, #tpu.memory_space<vmem>>[vector<16xi32>, vector<16xi32>], vector<16xf32>,
        %gather3A_679 = tpu.vector_load_idx %arg16[%add3A_279, %broadcast_in_dim3A_677] : memref<512x16xf32, #tpu.memory_space<vmem>>[vector<16xi32>, vector<16xi32>], vector<16xf32>,
        %get3A_680 = arith.constant 10 : i32
        %get3A_681 = arith.index_cast %get3A_680 : i32 to index
        %get3A_682 = arith.index_cast %mul3A_277 : i32 to index
        %get3A_683 = tpu.vector_load %arg14[%get3A_681, %get3A_682] {strides = array<i32>} : memref<16x512xf32, #tpu.memory_space<vmem>>, vector<16xf32>,
        %add3A_684 = arith.addf %gather3A_678, %gather3A_679 : vector<16xf32>
        %add3A_685 = arith.addf %add3A_684, %get3A_683 : vector<16xf32>
        %ge3A_686 = arith.constant 0.000000e+00 : f32
        %ge3A_687 = vector.broadcast %ge3A_686 : f32 to vector<16xf32>
        %ge3A_688 = arith.cmpf oge, %add3A_685, %ge3A_687 : vector<16xf32>
        %mul3A_689 = arith.constant 2.000000e-01 : f32
        %mul3A_690 = vector.broadcast %mul3A_689 : f32 to vector<16xf32>
        %mul3A_691 = arith.mulf %mul3A_690, %add3A_685 : vector<16xf32>
        %select_n3A_692 = arith.select %ge3A_688, %add3A_685, %mul3A_691 : vector<16xi1>, vector<16xf32>
        %bitcast_convert_type3A_693 = tpu.bitcast %select_n3A_692 : vector<16xf32> -> vector<16xi32>
        %shift_right_logical3A_694 = arith.constant 16 : i32
        %shift_right_logical3A_695 = vector.broadcast %shift_right_logical3A_694 : i32 to vector<16xi32>
        %shift_right_logical3A_696 = arith.shrui %bitcast_convert_type3A_693, %shift_right_logical3A_695 : vector<16xi32>
        %and3A_697 = arith.constant 1 : i32
        %and3A_698 = vector.broadcast %and3A_697 : i32 to vector<16xi32>
        %and3A_699 = arith.andi %shift_right_logical3A_696, %and3A_698 : vector<16xi32>
        %add3A_700 = arith.constant 32767 : i32
        %add3A_701 = vector.broadcast %add3A_700 : i32 to vector<16xi32>
        %add3A_702 = arith.addi %add3A_701, %and3A_699 : vector<16xi32>
        %add3A_703 = arith.addi %bitcast_convert_type3A_693, %add3A_702 : vector<16xi32>
        %and3A_704 = arith.constant -65536 : i32
        %and3A_705 = vector.broadcast %and3A_704 : i32 to vector<16xi32>
        %and3A_706 = arith.andi %add3A_703, %and3A_705 : vector<16xi32>
        %bitcast_convert_type3A_707 = tpu.bitcast %and3A_706 : vector<16xi32> -> vector<16xf32>
        %get3A_708 = arith.constant 10 : i32
        %get3A_709 = arith.index_cast %get3A_708 : i32 to index
        %get3A_710 = arith.constant 0 : index
        %get3A_711 = tpu.vector_load %arg18[%get3A_709, %get3A_710] {strides = array<i32>} : memref<16x16xf32, #tpu.memory_space<vmem>>, vector<16xf32>,
        %mul3A_712 = arith.mulf %get3A_711, %bitcast_convert_type3A_707 : vector<16xf32>
        %add3A_713 = arith.addf %add3A_675, %mul3A_712 : vector<16xf32>
        %broadcast_in_dim3A_714 = arith.constant 11 : i32
        %broadcast_in_dim3A_715 = vector.broadcast %broadcast_in_dim3A_714 : i32 to vector<16xi32>
        %gather3A_716 = tpu.vector_load_idx %arg15[%add3A_279, %broadcast_in_dim3A_715] : memref<512x16xf32, #tpu.memory_space<vmem>>[vector<16xi32>, vector<16xi32>], vector<16xf32>,
        %gather3A_717 = tpu.vector_load_idx %arg16[%add3A_279, %broadcast_in_dim3A_715] : memref<512x16xf32, #tpu.memory_space<vmem>>[vector<16xi32>, vector<16xi32>], vector<16xf32>,
        %get3A_718 = arith.constant 11 : i32
        %get3A_719 = arith.index_cast %get3A_718 : i32 to index
        %get3A_720 = arith.index_cast %mul3A_277 : i32 to index
        %get3A_721 = tpu.vector_load %arg14[%get3A_719, %get3A_720] {strides = array<i32>} : memref<16x512xf32, #tpu.memory_space<vmem>>, vector<16xf32>,
        %add3A_722 = arith.addf %gather3A_716, %gather3A_717 : vector<16xf32>
        %add3A_723 = arith.addf %add3A_722, %get3A_721 : vector<16xf32>
        %ge3A_724 = arith.constant 0.000000e+00 : f32
        %ge3A_725 = vector.broadcast %ge3A_724 : f32 to vector<16xf32>
        %ge3A_726 = arith.cmpf oge, %add3A_723, %ge3A_725 : vector<16xf32>
        %mul3A_727 = arith.constant 2.000000e-01 : f32
        %mul3A_728 = vector.broadcast %mul3A_727 : f32 to vector<16xf32>
        %mul3A_729 = arith.mulf %mul3A_728, %add3A_723 : vector<16xf32>
        %select_n3A_730 = arith.select %ge3A_726, %add3A_723, %mul3A_729 : vector<16xi1>, vector<16xf32>
        %bitcast_convert_type3A_731 = tpu.bitcast %select_n3A_730 : vector<16xf32> -> vector<16xi32>
        %shift_right_logical3A_732 = arith.constant 16 : i32
        %shift_right_logical3A_733 = vector.broadcast %shift_right_logical3A_732 : i32 to vector<16xi32>
        %shift_right_logical3A_734 = arith.shrui %bitcast_convert_type3A_731, %shift_right_logical3A_733 : vector<16xi32>
        %and3A_735 = arith.constant 1 : i32
        %and3A_736 = vector.broadcast %and3A_735 : i32 to vector<16xi32>
        %and3A_737 = arith.andi %shift_right_logical3A_734, %and3A_736 : vector<16xi32>
        %add3A_738 = arith.constant 32767 : i32
        %add3A_739 = vector.broadcast %add3A_738 : i32 to vector<16xi32>
        %add3A_740 = arith.addi %add3A_739, %and3A_737 : vector<16xi32>
        %add3A_741 = arith.addi %bitcast_convert_type3A_731, %add3A_740 : vector<16xi32>
        %and3A_742 = arith.constant -65536 : i32
        %and3A_743 = vector.broadcast %and3A_742 : i32 to vector<16xi32>
        %and3A_744 = arith.andi %add3A_741, %and3A_743 : vector<16xi32>
        %bitcast_convert_type3A_745 = tpu.bitcast %and3A_744 : vector<16xi32> -> vector<16xf32>
        %get3A_746 = arith.constant 11 : i32
        %get3A_747 = arith.index_cast %get3A_746 : i32 to index
        %get3A_748 = arith.constant 0 : index
        %get3A_749 = tpu.vector_load %arg18[%get3A_747, %get3A_748] {strides = array<i32>} : memref<16x16xf32, #tpu.memory_space<vmem>>, vector<16xf32>,
        %mul3A_750 = arith.mulf %get3A_749, %bitcast_convert_type3A_745 : vector<16xf32>
        %add3A_751 = arith.addf %add3A_713, %mul3A_750 : vector<16xf32>
        %broadcast_in_dim3A_752 = arith.constant 12 : i32
        %broadcast_in_dim3A_753 = vector.broadcast %broadcast_in_dim3A_752 : i32 to vector<16xi32>
        %gather3A_754 = tpu.vector_load_idx %arg15[%add3A_279, %broadcast_in_dim3A_753] : memref<512x16xf32, #tpu.memory_space<vmem>>[vector<16xi32>, vector<16xi32>], vector<16xf32>,
        %gather3A_755 = tpu.vector_load_idx %arg16[%add3A_279, %broadcast_in_dim3A_753] : memref<512x16xf32, #tpu.memory_space<vmem>>[vector<16xi32>, vector<16xi32>], vector<16xf32>,
        %get3A_756 = arith.constant 12 : i32
        %get3A_757 = arith.index_cast %get3A_756 : i32 to index
        %get3A_758 = arith.index_cast %mul3A_277 : i32 to index
        %get3A_759 = tpu.vector_load %arg14[%get3A_757, %get3A_758] {strides = array<i32>} : memref<16x512xf32, #tpu.memory_space<vmem>>, vector<16xf32>,
        %add3A_760 = arith.addf %gather3A_754, %gather3A_755 : vector<16xf32>
        %add3A_761 = arith.addf %add3A_760, %get3A_759 : vector<16xf32>
        %ge3A_762 = arith.constant 0.000000e+00 : f32
        %ge3A_763 = vector.broadcast %ge3A_762 : f32 to vector<16xf32>
        %ge3A_764 = arith.cmpf oge, %add3A_761, %ge3A_763 : vector<16xf32>
        %mul3A_765 = arith.constant 2.000000e-01 : f32
        %mul3A_766 = vector.broadcast %mul3A_765 : f32 to vector<16xf32>
        %mul3A_767 = arith.mulf %mul3A_766, %add3A_761 : vector<16xf32>
        %select_n3A_768 = arith.select %ge3A_764, %add3A_761, %mul3A_767 : vector<16xi1>, vector<16xf32>
        %bitcast_convert_type3A_769 = tpu.bitcast %select_n3A_768 : vector<16xf32> -> vector<16xi32>
        %shift_right_logical3A_770 = arith.constant 16 : i32
        %shift_right_logical3A_771 = vector.broadcast %shift_right_logical3A_770 : i32 to vector<16xi32>
        %shift_right_logical3A_772 = arith.shrui %bitcast_convert_type3A_769, %shift_right_logical3A_771 : vector<16xi32>
        %and3A_773 = arith.constant 1 : i32
        %and3A_774 = vector.broadcast %and3A_773 : i32 to vector<16xi32>
        %and3A_775 = arith.andi %shift_right_logical3A_772, %and3A_774 : vector<16xi32>
        %add3A_776 = arith.constant 32767 : i32
        %add3A_777 = vector.broadcast %add3A_776 : i32 to vector<16xi32>
        %add3A_778 = arith.addi %add3A_777, %and3A_775 : vector<16xi32>
        %add3A_779 = arith.addi %bitcast_convert_type3A_769, %add3A_778 : vector<16xi32>
        %and3A_780 = arith.constant -65536 : i32
        %and3A_781 = vector.broadcast %and3A_780 : i32 to vector<16xi32>
        %and3A_782 = arith.andi %add3A_779, %and3A_781 : vector<16xi32>
        %bitcast_convert_type3A_783 = tpu.bitcast %and3A_782 : vector<16xi32> -> vector<16xf32>
        %get3A_784 = arith.constant 12 : i32
        %get3A_785 = arith.index_cast %get3A_784 : i32 to index
        %get3A_786 = arith.constant 0 : index
        %get3A_787 = tpu.vector_load %arg18[%get3A_785, %get3A_786] {strides = array<i32>} : memref<16x16xf32, #tpu.memory_space<vmem>>, vector<16xf32>,
        %mul3A_788 = arith.mulf %get3A_787, %bitcast_convert_type3A_783 : vector<16xf32>
        %add3A_789 = arith.addf %add3A_751, %mul3A_788 : vector<16xf32>
        %broadcast_in_dim3A_790 = arith.constant 13 : i32
        %broadcast_in_dim3A_791 = vector.broadcast %broadcast_in_dim3A_790 : i32 to vector<16xi32>
        %gather3A_792 = tpu.vector_load_idx %arg15[%add3A_279, %broadcast_in_dim3A_791] : memref<512x16xf32, #tpu.memory_space<vmem>>[vector<16xi32>, vector<16xi32>], vector<16xf32>,
        %gather3A_793 = tpu.vector_load_idx %arg16[%add3A_279, %broadcast_in_dim3A_791] : memref<512x16xf32, #tpu.memory_space<vmem>>[vector<16xi32>, vector<16xi32>], vector<16xf32>,
        %get3A_794 = arith.constant 13 : i32
        %get3A_795 = arith.index_cast %get3A_794 : i32 to index
        %get3A_796 = arith.index_cast %mul3A_277 : i32 to index
        %get3A_797 = tpu.vector_load %arg14[%get3A_795, %get3A_796] {strides = array<i32>} : memref<16x512xf32, #tpu.memory_space<vmem>>, vector<16xf32>,
        %add3A_798 = arith.addf %gather3A_792, %gather3A_793 : vector<16xf32>
        %add3A_799 = arith.addf %add3A_798, %get3A_797 : vector<16xf32>
        %ge3A_800 = arith.constant 0.000000e+00 : f32
        %ge3A_801 = vector.broadcast %ge3A_800 : f32 to vector<16xf32>
        %ge3A_802 = arith.cmpf oge, %add3A_799, %ge3A_801 : vector<16xf32>
        %mul3A_803 = arith.constant 2.000000e-01 : f32
        %mul3A_804 = vector.broadcast %mul3A_803 : f32 to vector<16xf32>
        %mul3A_805 = arith.mulf %mul3A_804, %add3A_799 : vector<16xf32>
        %select_n3A_806 = arith.select %ge3A_802, %add3A_799, %mul3A_805 : vector<16xi1>, vector<16xf32>
        %bitcast_convert_type3A_807 = tpu.bitcast %select_n3A_806 : vector<16xf32> -> vector<16xi32>
        %shift_right_logical3A_808 = arith.constant 16 : i32
        %shift_right_logical3A_809 = vector.broadcast %shift_right_logical3A_808 : i32 to vector<16xi32>
        %shift_right_logical3A_810 = arith.shrui %bitcast_convert_type3A_807, %shift_right_logical3A_809 : vector<16xi32>
        %and3A_811 = arith.constant 1 : i32
        %and3A_812 = vector.broadcast %and3A_811 : i32 to vector<16xi32>
        %and3A_813 = arith.andi %shift_right_logical3A_810, %and3A_812 : vector<16xi32>
        %add3A_814 = arith.constant 32767 : i32
        %add3A_815 = vector.broadcast %add3A_814 : i32 to vector<16xi32>
        %add3A_816 = arith.addi %add3A_815, %and3A_813 : vector<16xi32>
        %add3A_817 = arith.addi %bitcast_convert_type3A_807, %add3A_816 : vector<16xi32>
        %and3A_818 = arith.constant -65536 : i32
        %and3A_819 = vector.broadcast %and3A_818 : i32 to vector<16xi32>
        %and3A_820 = arith.andi %add3A_817, %and3A_819 : vector<16xi32>
        %bitcast_convert_type3A_821 = tpu.bitcast %and3A_820 : vector<16xi32> -> vector<16xf32>
        %get3A_822 = arith.constant 13 : i32
        %get3A_823 = arith.index_cast %get3A_822 : i32 to index
        %get3A_824 = arith.constant 0 : index
        %get3A_825 = tpu.vector_load %arg18[%get3A_823, %get3A_824] {strides = array<i32>} : memref<16x16xf32, #tpu.memory_space<vmem>>, vector<16xf32>,
        %mul3A_826 = arith.mulf %get3A_825, %bitcast_convert_type3A_821 : vector<16xf32>
        %add3A_827 = arith.addf %add3A_789, %mul3A_826 : vector<16xf32>
        %broadcast_in_dim3A_828 = arith.constant 14 : i32
        %broadcast_in_dim3A_829 = vector.broadcast %broadcast_in_dim3A_828 : i32 to vector<16xi32>
        %gather3A_830 = tpu.vector_load_idx %arg15[%add3A_279, %broadcast_in_dim3A_829] : memref<512x16xf32, #tpu.memory_space<vmem>>[vector<16xi32>, vector<16xi32>], vector<16xf32>,
        %gather3A_831 = tpu.vector_load_idx %arg16[%add3A_279, %broadcast_in_dim3A_829] : memref<512x16xf32, #tpu.memory_space<vmem>>[vector<16xi32>, vector<16xi32>], vector<16xf32>,
        %get3A_832 = arith.constant 14 : i32
        %get3A_833 = arith.index_cast %get3A_832 : i32 to index
        %get3A_834 = arith.index_cast %mul3A_277 : i32 to index
        %get3A_835 = tpu.vector_load %arg14[%get3A_833, %get3A_834] {strides = array<i32>} : memref<16x512xf32, #tpu.memory_space<vmem>>, vector<16xf32>,
        %add3A_836 = arith.addf %gather3A_830, %gather3A_831 : vector<16xf32>
        %add3A_837 = arith.addf %add3A_836, %get3A_835 : vector<16xf32>
        %ge3A_838 = arith.constant 0.000000e+00 : f32
        %ge3A_839 = vector.broadcast %ge3A_838 : f32 to vector<16xf32>
        %ge3A_840 = arith.cmpf oge, %add3A_837, %ge3A_839 : vector<16xf32>
        %mul3A_841 = arith.constant 2.000000e-01 : f32
        %mul3A_842 = vector.broadcast %mul3A_841 : f32 to vector<16xf32>
        %mul3A_843 = arith.mulf %mul3A_842, %add3A_837 : vector<16xf32>
        %select_n3A_844 = arith.select %ge3A_840, %add3A_837, %mul3A_843 : vector<16xi1>, vector<16xf32>
        %bitcast_convert_type3A_845 = tpu.bitcast %select_n3A_844 : vector<16xf32> -> vector<16xi32>
        %shift_right_logical3A_846 = arith.constant 16 : i32
        %shift_right_logical3A_847 = vector.broadcast %shift_right_logical3A_846 : i32 to vector<16xi32>
        %shift_right_logical3A_848 = arith.shrui %bitcast_convert_type3A_845, %shift_right_logical3A_847 : vector<16xi32>
        %and3A_849 = arith.constant 1 : i32
        %and3A_850 = vector.broadcast %and3A_849 : i32 to vector<16xi32>
        %and3A_851 = arith.andi %shift_right_logical3A_848, %and3A_850 : vector<16xi32>
        %add3A_852 = arith.constant 32767 : i32
        %add3A_853 = vector.broadcast %add3A_852 : i32 to vector<16xi32>
        %add3A_854 = arith.addi %add3A_853, %and3A_851 : vector<16xi32>
        %add3A_855 = arith.addi %bitcast_convert_type3A_845, %add3A_854 : vector<16xi32>
        %and3A_856 = arith.constant -65536 : i32
        %and3A_857 = vector.broadcast %and3A_856 : i32 to vector<16xi32>
        %and3A_858 = arith.andi %add3A_855, %and3A_857 : vector<16xi32>
        %bitcast_convert_type3A_859 = tpu.bitcast %and3A_858 : vector<16xi32> -> vector<16xf32>
        %get3A_860 = arith.constant 14 : i32
        %get3A_861 = arith.index_cast %get3A_860 : i32 to index
        %get3A_862 = arith.constant 0 : index
        %get3A_863 = tpu.vector_load %arg18[%get3A_861, %get3A_862] {strides = array<i32>} : memref<16x16xf32, #tpu.memory_space<vmem>>, vector<16xf32>,
        %mul3A_864 = arith.mulf %get3A_863, %bitcast_convert_type3A_859 : vector<16xf32>
        %add3A_865 = arith.addf %add3A_827, %mul3A_864 : vector<16xf32>
        %broadcast_in_dim3A_866 = arith.constant 15 : i32
        %broadcast_in_dim3A_867 = vector.broadcast %broadcast_in_dim3A_866 : i32 to vector<16xi32>
        %gather3A_868 = tpu.vector_load_idx %arg15[%add3A_279, %broadcast_in_dim3A_867] : memref<512x16xf32, #tpu.memory_space<vmem>>[vector<16xi32>, vector<16xi32>], vector<16xf32>,
        %gather3A_869 = tpu.vector_load_idx %arg16[%add3A_279, %broadcast_in_dim3A_867] : memref<512x16xf32, #tpu.memory_space<vmem>>[vector<16xi32>, vector<16xi32>], vector<16xf32>,
        %get3A_870 = arith.constant 15 : i32
        %get3A_871 = arith.index_cast %get3A_870 : i32 to index
        %get3A_872 = arith.index_cast %mul3A_277 : i32 to index
        %get3A_873 = tpu.vector_load %arg14[%get3A_871, %get3A_872] {strides = array<i32>} : memref<16x512xf32, #tpu.memory_space<vmem>>, vector<16xf32>,
        %add3A_874 = arith.addf %gather3A_868, %gather3A_869 : vector<16xf32>
        %add3A_875 = arith.addf %add3A_874, %get3A_873 : vector<16xf32>
        %ge3A_876 = arith.constant 0.000000e+00 : f32
        %ge3A_877 = vector.broadcast %ge3A_876 : f32 to vector<16xf32>
        %ge3A_878 = arith.cmpf oge, %add3A_875, %ge3A_877 : vector<16xf32>
        %mul3A_879 = arith.constant 2.000000e-01 : f32
        %mul3A_880 = vector.broadcast %mul3A_879 : f32 to vector<16xf32>
        %mul3A_881 = arith.mulf %mul3A_880, %add3A_875 : vector<16xf32>
        %select_n3A_882 = arith.select %ge3A_878, %add3A_875, %mul3A_881 : vector<16xi1>, vector<16xf32>
        %bitcast_convert_type3A_883 = tpu.bitcast %select_n3A_882 : vector<16xf32> -> vector<16xi32>
        %shift_right_logical3A_884 = arith.constant 16 : i32
        %shift_right_logical3A_885 = vector.broadcast %shift_right_logical3A_884 : i32 to vector<16xi32>
        %shift_right_logical3A_886 = arith.shrui %bitcast_convert_type3A_883, %shift_right_logical3A_885 : vector<16xi32>
        %and3A_887 = arith.constant 1 : i32
        %and3A_888 = vector.broadcast %and3A_887 : i32 to vector<16xi32>
        %and3A_889 = arith.andi %shift_right_logical3A_886, %and3A_888 : vector<16xi32>
        %add3A_890 = arith.constant 32767 : i32
        %add3A_891 = vector.broadcast %add3A_890 : i32 to vector<16xi32>
        %add3A_892 = arith.addi %add3A_891, %and3A_889 : vector<16xi32>
        %add3A_893 = arith.addi %bitcast_convert_type3A_883, %add3A_892 : vector<16xi32>
        %and3A_894 = arith.constant -65536 : i32
        %and3A_895 = vector.broadcast %and3A_894 : i32 to vector<16xi32>
        %and3A_896 = arith.andi %add3A_893, %and3A_895 : vector<16xi32>
        %bitcast_convert_type3A_897 = tpu.bitcast %and3A_896 : vector<16xi32> -> vector<16xf32>
        %get3A_898 = arith.constant 15 : i32
        %get3A_899 = arith.index_cast %get3A_898 : i32 to index
        %get3A_900 = arith.constant 0 : index
        %get3A_901 = tpu.vector_load %arg18[%get3A_899, %get3A_900] {strides = array<i32>} : memref<16x16xf32, #tpu.memory_space<vmem>>, vector<16xf32>,
        %mul3A_902 = arith.mulf %get3A_901, %bitcast_convert_type3A_897 : vector<16xf32>
        %add3A_903 = arith.addf %add3A_865, %mul3A_902 : vector<16xf32>
        %exp3A = math.exp %add3A_903 : vector<16xf32>
        %mul3A_904 = vector.broadcast %convert_element_type3A_298 : f32 to vector<16xf32>
        %mul3A_905 = arith.mulf %exp3A, %mul3A_904 : vector<16xf32>
        %broadcast_in_dim3A_906 = arith.constant 0 : i32
        %broadcast_in_dim3A_907 = vector.broadcast %broadcast_in_dim3A_906 : i32 to vector<16xi32>
        %mul3A_908 = arith.mulf %mul3A_905, %gather3A : vector<16xf32>
        tpu.vector_store_idx %arg17[%add3A_279, %broadcast_in_dim3A_907], %mul3A_908 : memref<512x32xf32, #tpu.memory_space<vmem>>[vector<16xi32>, vector<16xi32>], vector<16xf32>,
        %broadcast_in_dim3A_909 = arith.constant 1 : i32
        %broadcast_in_dim3A_910 = vector.broadcast %broadcast_in_dim3A_909 : i32 to vector<16xi32>
        %mul3A_911 = arith.mulf %mul3A_905, %gather3A_336 : vector<16xf32>
        tpu.vector_store_idx %arg17[%add3A_279, %broadcast_in_dim3A_910], %mul3A_911 : memref<512x32xf32, #tpu.memory_space<vmem>>[vector<16xi32>, vector<16xi32>], vector<16xf32>,
        %broadcast_in_dim3A_912 = arith.constant 2 : i32
        %broadcast_in_dim3A_913 = vector.broadcast %broadcast_in_dim3A_912 : i32 to vector<16xi32>
        %mul3A_914 = arith.mulf %mul3A_905, %gather3A_374 : vector<16xf32>
        tpu.vector_store_idx %arg17[%add3A_279, %broadcast_in_dim3A_913], %mul3A_914 : memref<512x32xf32, #tpu.memory_space<vmem>>[vector<16xi32>, vector<16xi32>], vector<16xf32>,
        %broadcast_in_dim3A_915 = arith.constant 3 : i32
        %broadcast_in_dim3A_916 = vector.broadcast %broadcast_in_dim3A_915 : i32 to vector<16xi32>
        %mul3A_917 = arith.mulf %mul3A_905, %gather3A_412 : vector<16xf32>
        tpu.vector_store_idx %arg17[%add3A_279, %broadcast_in_dim3A_916], %mul3A_917 : memref<512x32xf32, #tpu.memory_space<vmem>>[vector<16xi32>, vector<16xi32>], vector<16xf32>,
        %broadcast_in_dim3A_918 = arith.constant 4 : i32
        %broadcast_in_dim3A_919 = vector.broadcast %broadcast_in_dim3A_918 : i32 to vector<16xi32>
        %mul3A_920 = arith.mulf %mul3A_905, %gather3A_450 : vector<16xf32>
        tpu.vector_store_idx %arg17[%add3A_279, %broadcast_in_dim3A_919], %mul3A_920 : memref<512x32xf32, #tpu.memory_space<vmem>>[vector<16xi32>, vector<16xi32>], vector<16xf32>,
        %broadcast_in_dim3A_921 = arith.constant 5 : i32
        %broadcast_in_dim3A_922 = vector.broadcast %broadcast_in_dim3A_921 : i32 to vector<16xi32>
        %mul3A_923 = arith.mulf %mul3A_905, %gather3A_488 : vector<16xf32>
        tpu.vector_store_idx %arg17[%add3A_279, %broadcast_in_dim3A_922], %mul3A_923 : memref<512x32xf32, #tpu.memory_space<vmem>>[vector<16xi32>, vector<16xi32>], vector<16xf32>,
        %broadcast_in_dim3A_924 = arith.constant 6 : i32
        %broadcast_in_dim3A_925 = vector.broadcast %broadcast_in_dim3A_924 : i32 to vector<16xi32>
        %mul3A_926 = arith.mulf %mul3A_905, %gather3A_526 : vector<16xf32>
        tpu.vector_store_idx %arg17[%add3A_279, %broadcast_in_dim3A_925], %mul3A_926 : memref<512x32xf32, #tpu.memory_space<vmem>>[vector<16xi32>, vector<16xi32>], vector<16xf32>,
        %broadcast_in_dim3A_927 = arith.constant 7 : i32
        %broadcast_in_dim3A_928 = vector.broadcast %broadcast_in_dim3A_927 : i32 to vector<16xi32>
        %mul3A_929 = arith.mulf %mul3A_905, %gather3A_564 : vector<16xf32>
        tpu.vector_store_idx %arg17[%add3A_279, %broadcast_in_dim3A_928], %mul3A_929 : memref<512x32xf32, #tpu.memory_space<vmem>>[vector<16xi32>, vector<16xi32>], vector<16xf32>,
        %broadcast_in_dim3A_930 = arith.constant 8 : i32
        %broadcast_in_dim3A_931 = vector.broadcast %broadcast_in_dim3A_930 : i32 to vector<16xi32>
        %mul3A_932 = arith.mulf %mul3A_905, %gather3A_602 : vector<16xf32>
        tpu.vector_store_idx %arg17[%add3A_279, %broadcast_in_dim3A_931], %mul3A_932 : memref<512x32xf32, #tpu.memory_space<vmem>>[vector<16xi32>, vector<16xi32>], vector<16xf32>,
        %broadcast_in_dim3A_933 = arith.constant 9 : i32
        %broadcast_in_dim3A_934 = vector.broadcast %broadcast_in_dim3A_933 : i32 to vector<16xi32>
        %mul3A_935 = arith.mulf %mul3A_905, %gather3A_640 : vector<16xf32>
        tpu.vector_store_idx %arg17[%add3A_279, %broadcast_in_dim3A_934], %mul3A_935 : memref<512x32xf32, #tpu.memory_space<vmem>>[vector<16xi32>, vector<16xi32>], vector<16xf32>,
        %broadcast_in_dim3A_936 = arith.constant 10 : i32
        %broadcast_in_dim3A_937 = vector.broadcast %broadcast_in_dim3A_936 : i32 to vector<16xi32>
        %mul3A_938 = arith.mulf %mul3A_905, %gather3A_678 : vector<16xf32>
        tpu.vector_store_idx %arg17[%add3A_279, %broadcast_in_dim3A_937], %mul3A_938 : memref<512x32xf32, #tpu.memory_space<vmem>>[vector<16xi32>, vector<16xi32>], vector<16xf32>,
        %broadcast_in_dim3A_939 = arith.constant 11 : i32
        %broadcast_in_dim3A_940 = vector.broadcast %broadcast_in_dim3A_939 : i32 to vector<16xi32>
        %mul3A_941 = arith.mulf %mul3A_905, %gather3A_716 : vector<16xf32>
        tpu.vector_store_idx %arg17[%add3A_279, %broadcast_in_dim3A_940], %mul3A_941 : memref<512x32xf32, #tpu.memory_space<vmem>>[vector<16xi32>, vector<16xi32>], vector<16xf32>,
        %broadcast_in_dim3A_942 = arith.constant 12 : i32
        %broadcast_in_dim3A_943 = vector.broadcast %broadcast_in_dim3A_942 : i32 to vector<16xi32>
        %mul3A_944 = arith.mulf %mul3A_905, %gather3A_754 : vector<16xf32>
        tpu.vector_store_idx %arg17[%add3A_279, %broadcast_in_dim3A_943], %mul3A_944 : memref<512x32xf32, #tpu.memory_space<vmem>>[vector<16xi32>, vector<16xi32>], vector<16xf32>,
        %broadcast_in_dim3A_945 = arith.constant 13 : i32
        %broadcast_in_dim3A_946 = vector.broadcast %broadcast_in_dim3A_945 : i32 to vector<16xi32>
        %mul3A_947 = arith.mulf %mul3A_905, %gather3A_792 : vector<16xf32>
        tpu.vector_store_idx %arg17[%add3A_279, %broadcast_in_dim3A_946], %mul3A_947 : memref<512x32xf32, #tpu.memory_space<vmem>>[vector<16xi32>, vector<16xi32>], vector<16xf32>,
        %broadcast_in_dim3A_948 = arith.constant 14 : i32
        %broadcast_in_dim3A_949 = vector.broadcast %broadcast_in_dim3A_948 : i32 to vector<16xi32>
        %mul3A_950 = arith.mulf %mul3A_905, %gather3A_830 : vector<16xf32>
        tpu.vector_store_idx %arg17[%add3A_279, %broadcast_in_dim3A_949], %mul3A_950 : memref<512x32xf32, #tpu.memory_space<vmem>>[vector<16xi32>, vector<16xi32>], vector<16xf32>,
        %broadcast_in_dim3A_951 = arith.constant 15 : i32
        %broadcast_in_dim3A_952 = vector.broadcast %broadcast_in_dim3A_951 : i32 to vector<16xi32>
        %mul3A_953 = arith.mulf %mul3A_905, %gather3A_868 : vector<16xf32>
        tpu.vector_store_idx %arg17[%add3A_279, %broadcast_in_dim3A_952], %mul3A_953 : memref<512x32xf32, #tpu.memory_space<vmem>>[vector<16xi32>, vector<16xi32>], vector<16xf32>,
        %broadcast_in_dim3A_954 = arith.constant 16 : i32
        %broadcast_in_dim3A_955 = vector.broadcast %broadcast_in_dim3A_954 : i32 to vector<16xi32>
        tpu.vector_store_idx %arg17[%add3A_279, %broadcast_in_dim3A_955], %mul3A_905 : memref<512x32xf32, #tpu.memory_space<vmem>>[vector<16xi32>, vector<16xi32>], vector<16xf32>,
      }
      %scan3A_226 = arith.constant 32 : i32
      %dma_start3A_227 = arith.constant 0 : i32
      %dma_start3A_228 = arith.constant 0 : i32
      %dma_start3A_229 = tpu.memref_slice %arg17[%dma_start3A_227, %dma_start3A_228] : memref<512x32xf32, #tpu.memory_space<vmem>> -> memref<128x32xf32, #tpu.memory_space<vmem>>
      %dma_start3A_230 = arith.constant 0 : i32
      %dma_start3A_231 = arith.constant 0 : i32
      %dma_start3A_232 = tpu.memref_slice %arg20[%dma_start3A_230, %dma_start3A_231] : memref<10240x32xf32, #tpu.memory_space<vmem_shared>> -> memref<10240x32xf32, #tpu.memory_space<vmem_shared>>
      tpu.enqueue_indirect_dma source(%dma_start3A_229 : memref<128x32xf32, #tpu.memory_space<vmem>>) target(%dma_start3A_232 : memref<10240x32xf32, #tpu.memory_space<vmem_shared>>) offsets(%arg10 : memref<128xi32, #tpu.memory_space<vmem>>) semaphore(%arg23 : memref<!tpu.dma_semaphore, #tpu.memory_space<semaphore_mem>>) {add = true}
      %dma_start3A_233 = arith.constant 128 : i32
      %dma_start3A_234 = arith.constant 0 : i32
      %dma_start3A_235 = tpu.memref_slice %arg17[%dma_start3A_233, %dma_start3A_234] : memref<512x32xf32, #tpu.memory_space<vmem>> -> memref<128x32xf32, #tpu.memory_space<vmem>>
      %dma_start3A_236 = arith.constant 0 : i32
      %dma_start3A_237 = arith.constant 0 : i32
      %dma_start3A_238 = tpu.memref_slice %arg20[%dma_start3A_236, %dma_start3A_237] : memref<10240x32xf32, #tpu.memory_space<vmem_shared>> -> memref<10240x32xf32, #tpu.memory_space<vmem_shared>>
      tpu.enqueue_indirect_dma source(%dma_start3A_235 : memref<128x32xf32, #tpu.memory_space<vmem>>) target(%dma_start3A_238 : memref<10240x32xf32, #tpu.memory_space<vmem_shared>>) offsets(%arg11 : memref<128xi32, #tpu.memory_space<vmem>>) semaphore(%arg23 : memref<!tpu.dma_semaphore, #tpu.memory_space<semaphore_mem>>) {add = true}
      %dma_start3A_239 = arith.constant 256 : i32
      %dma_start3A_240 = arith.constant 0 : i32
      %dma_start3A_241 = tpu.memref_slice %arg17[%dma_start3A_239, %dma_start3A_240] : memref<512x32xf32, #tpu.memory_space<vmem>> -> memref<128x32xf32, #tpu.memory_space<vmem>>
      %dma_start3A_242 = arith.constant 0 : i32
      %dma_start3A_243 = arith.constant 0 : i32
      %dma_start3A_244 = tpu.memref_slice %arg20[%dma_start3A_242, %dma_start3A_243] : memref<10240x32xf32, #tpu.memory_space<vmem_shared>> -> memref<10240x32xf32, #tpu.memory_space<vmem_shared>>
      tpu.enqueue_indirect_dma source(%dma_start3A_241 : memref<128x32xf32, #tpu.memory_space<vmem>>) target(%dma_start3A_244 : memref<10240x32xf32, #tpu.memory_space<vmem_shared>>) offsets(%arg12 : memref<128xi32, #tpu.memory_space<vmem>>) semaphore(%arg23 : memref<!tpu.dma_semaphore, #tpu.memory_space<semaphore_mem>>) {add = true}
      %dma_start3A_245 = arith.constant 384 : i32
      %dma_start3A_246 = arith.constant 0 : i32
      %dma_start3A_247 = tpu.memref_slice %arg17[%dma_start3A_245, %dma_start3A_246] : memref<512x32xf32, #tpu.memory_space<vmem>> -> memref<128x32xf32, #tpu.memory_space<vmem>>
      %dma_start3A_248 = arith.constant 0 : i32
      %dma_start3A_249 = arith.constant 0 : i32
      %dma_start3A_250 = tpu.memref_slice %arg20[%dma_start3A_248, %dma_start3A_249] : memref<10240x32xf32, #tpu.memory_space<vmem_shared>> -> memref<10240x32xf32, #tpu.memory_space<vmem_shared>>
      tpu.enqueue_indirect_dma source(%dma_start3A_247 : memref<128x32xf32, #tpu.memory_space<vmem>>) target(%dma_start3A_250 : memref<10240x32xf32, #tpu.memory_space<vmem_shared>>) offsets(%arg13 : memref<128xi32, #tpu.memory_space<vmem>>) semaphore(%arg23 : memref<!tpu.dma_semaphore, #tpu.memory_space<semaphore_mem>>) {add = true}
      %dma_wait3A_251 = arith.constant 0 : i32
      %dma_wait3A_252 = arith.constant 0 : i32
      %dma_wait3A_253 = tpu.memref_slice %arg17[%dma_wait3A_251, %dma_wait3A_252] : memref<512x32xf32, #tpu.memory_space<vmem>> -> memref<128x32xf32, #tpu.memory_space<vmem>>
      %dma_wait3A_254 = arith.constant 0 : i32
      %dma_wait3A_255 = arith.constant 0 : i32
      %dma_wait3A_256 = tpu.memref_slice %arg20[%dma_wait3A_254, %dma_wait3A_255] : memref<10240x32xf32, #tpu.memory_space<vmem_shared>> -> memref<10240x32xf32, #tpu.memory_space<vmem_shared>>
      tpu.wait_indirect_dma semaphore(%arg23 : memref<!tpu.dma_semaphore, #tpu.memory_space<semaphore_mem>>) src(%dma_wait3A_253 : memref<128x32xf32, #tpu.memory_space<vmem>>) dst(%dma_wait3A_256 : memref<10240x32xf32, #tpu.memory_space<vmem_shared>>)
      %dma_wait3A_257 = arith.constant 128 : i32
      %dma_wait3A_258 = arith.constant 0 : i32
      %dma_wait3A_259 = tpu.memref_slice %arg17[%dma_wait3A_257, %dma_wait3A_258] : memref<512x32xf32, #tpu.memory_space<vmem>> -> memref<128x32xf32, #tpu.memory_space<vmem>>
      %dma_wait3A_260 = arith.constant 0 : i32
      %dma_wait3A_261 = arith.constant 0 : i32
      %dma_wait3A_262 = tpu.memref_slice %arg20[%dma_wait3A_260, %dma_wait3A_261] : memref<10240x32xf32, #tpu.memory_space<vmem_shared>> -> memref<10240x32xf32, #tpu.memory_space<vmem_shared>>
      tpu.wait_indirect_dma semaphore(%arg23 : memref<!tpu.dma_semaphore, #tpu.memory_space<semaphore_mem>>) src(%dma_wait3A_259 : memref<128x32xf32, #tpu.memory_space<vmem>>) dst(%dma_wait3A_262 : memref<10240x32xf32, #tpu.memory_space<vmem_shared>>)
      %dma_wait3A_263 = arith.constant 256 : i32
      %dma_wait3A_264 = arith.constant 0 : i32
      %dma_wait3A_265 = tpu.memref_slice %arg17[%dma_wait3A_263, %dma_wait3A_264] : memref<512x32xf32, #tpu.memory_space<vmem>> -> memref<128x32xf32, #tpu.memory_space<vmem>>
      %dma_wait3A_266 = arith.constant 0 : i32
      %dma_wait3A_267 = arith.constant 0 : i32
      %dma_wait3A_268 = tpu.memref_slice %arg20[%dma_wait3A_266, %dma_wait3A_267] : memref<10240x32xf32, #tpu.memory_space<vmem_shared>> -> memref<10240x32xf32, #tpu.memory_space<vmem_shared>>
      tpu.wait_indirect_dma semaphore(%arg23 : memref<!tpu.dma_semaphore, #tpu.memory_space<semaphore_mem>>) src(%dma_wait3A_265 : memref<128x32xf32, #tpu.memory_space<vmem>>) dst(%dma_wait3A_268 : memref<10240x32xf32, #tpu.memory_space<vmem_shared>>)
      %dma_wait3A_269 = arith.constant 384 : i32
      %dma_wait3A_270 = arith.constant 0 : i32
      %dma_wait3A_271 = tpu.memref_slice %arg17[%dma_wait3A_269, %dma_wait3A_270] : memref<512x32xf32, #tpu.memory_space<vmem>> -> memref<128x32xf32, #tpu.memory_space<vmem>>
      %dma_wait3A_272 = arith.constant 0 : i32
      %dma_wait3A_273 = arith.constant 0 : i32
      %dma_wait3A_274 = tpu.memref_slice %arg20[%dma_wait3A_272, %dma_wait3A_273] : memref<10240x32xf32, #tpu.memory_space<vmem_shared>> -> memref<10240x32xf32, #tpu.memory_space<vmem_shared>>
      tpu.wait_indirect_dma semaphore(%arg23 : memref<!tpu.dma_semaphore, #tpu.memory_space<semaphore_mem>>) src(%dma_wait3A_271 : memref<128x32xf32, #tpu.memory_space<vmem>>) dst(%dma_wait3A_274 : memref<10240x32xf32, #tpu.memory_space<vmem_shared>>)
    }
    %scan3A_12 = arith.constant 40 : i32
    %barrier3A_13 = arith.constant 0 : index
    tpu.barrier barrier_id(%barrier3A_13)
    %mul3A_14 = arith.constant 640 : i32
    %mul3A_15 = arith.muli %arg1, %mul3A_14 : i32
    "tpu.region"() ({
      %run_scoped3A = tpu.sem_alloc : memref<!tpu.dma_semaphore, #tpu.memory_space<semaphore_mem>>
      %dma_start3A = arith.constant 0 : i32
      %dma_start3A_16 = tpu.memref_slice %arg8[%arg0, %mul3A_15, %dma_start3A] : memref<2x10240x32xf32, #tpu.memory_space<hbm>> -> memref<1x640x32xf32, #tpu.memory_space<hbm>>
      %dma_start3A_17 = tpu.memref_squeeze %dma_start3A_16 : memref<1x640x32xf32, #tpu.memory_space<hbm>> -> memref<640x32xf32, #tpu.memory_space<hbm>>
      %dma_start3A_18 = arith.constant 0 : i32
      %dma_start3A_19 = tpu.memref_slice %arg20[%mul3A_15, %dma_start3A_18] : memref<10240x32xf32, #tpu.memory_space<vmem_shared>> -> memref<640x32xf32, #tpu.memory_space<vmem_shared>>
      tpu.enqueue_dma source(%dma_start3A_19 : memref<640x32xf32, #tpu.memory_space<vmem_shared>>) target(%dma_start3A_17 : memref<640x32xf32, #tpu.memory_space<hbm>>) target_semaphore(%run_scoped3A : memref<!tpu.dma_semaphore, #tpu.memory_space<semaphore_mem>>)
      %dma_wait3A = arith.constant 0 : i32
      %dma_wait3A_20 = tpu.memref_slice %arg8[%arg0, %mul3A_15, %dma_wait3A] : memref<2x10240x32xf32, #tpu.memory_space<hbm>> -> memref<1x640x32xf32, #tpu.memory_space<hbm>>
      %dma_wait3A_21 = tpu.memref_squeeze %dma_wait3A_20 : memref<1x640x32xf32, #tpu.memory_space<hbm>> -> memref<640x32xf32, #tpu.memory_space<hbm>>
      %dma_wait3A_22 = arith.constant 0 : i32
      %dma_wait3A_23 = tpu.memref_slice %arg20[%mul3A_15, %dma_wait3A_22] : memref<10240x32xf32, #tpu.memory_space<vmem_shared>> -> memref<640x32xf32, #tpu.memory_space<vmem_shared>>
      tpu.wait_dma2 semaphore(%run_scoped3A : memref<!tpu.dma_semaphore, #tpu.memory_space<semaphore_mem>>) src(%dma_wait3A_23 : memref<640x32xf32, #tpu.memory_space<vmem_shared>>) dst(%dma_wait3A_21 : memref<640x32xf32, #tpu.memory_space<hbm>>)
      tpu.yield
    }) : () -> ()
    return
  }
}

module attributes {stable_mosaic.version = 14 : i64} {
  func.func @_edge_mlp_body(%arg0: i32, %arg1: memref<16x5120xf32, #tpu.memory_space<vmem>>, %arg2: memref<16x16xf32, #tpu.memory_space<vmem>>, %arg3: memref<16x1xf32, #tpu.memory_space<vmem>>, %arg4: memref<16x16xf32, #tpu.memory_space<vmem>>, %arg5: memref<16x1xf32, #tpu.memory_space<vmem>>, %arg6: memref<16x16xf32, #tpu.memory_space<vmem>>, %arg7: memref<16x1xf32, #tpu.memory_space<vmem>>, %arg8: memref<16x16xf32, #tpu.memory_space<vmem>>, %arg9: memref<16x5120xf32, #tpu.memory_space<vmem>>) attributes {dimension_semantics = [#tpu.dimension_semantics<arbitrary>], iteration_bounds = array<i64: 128>, scalar_prefetch = 0 : i64, scratch_operands = 0 : i64, tpu.core_type = #tpu.core_type<tc>, window_params = [{transform_indices = @transform_0, window_bounds = array<i64: 16, 5120>}, {pipeline_mode = #tpu.pipeline_mode<synchronous>, transform_indices = @transform_1, window_bounds = array<i64: 16, 16>}, {pipeline_mode = #tpu.pipeline_mode<synchronous>, transform_indices = @transform_2, window_bounds = array<i64: 16, 1>}, {pipeline_mode = #tpu.pipeline_mode<synchronous>, transform_indices = @transform_3, window_bounds = array<i64: 16, 16>}, {pipeline_mode = #tpu.pipeline_mode<synchronous>, transform_indices = @transform_4, window_bounds = array<i64: 16, 1>}, {pipeline_mode = #tpu.pipeline_mode<synchronous>, transform_indices = @transform_5, window_bounds = array<i64: 16, 16>}, {pipeline_mode = #tpu.pipeline_mode<synchronous>, transform_indices = @transform_6, window_bounds = array<i64: 16, 1>}, {pipeline_mode = #tpu.pipeline_mode<synchronous>, transform_indices = @transform_7, window_bounds = array<i64: 16, 16>}, {transform_indices = @transform_8, window_bounds = array<i64: 16, 5120>}]} {
    %get3A = arith.constant 0 : index
    %get3A_0 = arith.constant 0 : index
    %get3A_1 = vector.load %arg2[%get3A, %get3A_0] : memref<16x16xf32, #tpu.memory_space<vmem>>, vector<16x16xf32>
    %get3A_2 = arith.constant 0 : index
    %get3A_3 = arith.constant 0 : index
    %get3A_4 = vector.load %arg1[%get3A_2, %get3A_3] : memref<16x5120xf32, #tpu.memory_space<vmem>>, vector<16x5120xf32>
    %dot_general3A = arith.constant dense<0.000000e+00> : vector<16x5120xf32>
    %dot_general3A_5 = tpu.matmul %get3A_1, %get3A_4, %dot_general3A {dimension_numbers = #tpu.dot_dimension_numbers<[1], [0], [0], [1], [0, 0, 1, 1], [], []>, transpose_lhs_hint = false} : vector<16x16xf32>, vector<16x5120xf32>, vector<16x5120xf32> -> vector<16x5120xf32>
    %get3A_6 = arith.constant 0 : index
    %get3A_7 = arith.constant 0 : index
    %get3A_8 = vector.load %arg3[%get3A_6, %get3A_7] : memref<16x1xf32, #tpu.memory_space<vmem>>, vector<16x1xf32>
    %add3A = vector.broadcast %get3A_8 : vector<16x1xf32> to vector<16x5120xf32>
    %add3A_9 = arith.addf %dot_general3A_5, %add3A : vector<16x5120xf32>
    %max3A = arith.constant 0.000000e+00 : f32
    %max3A_10 = vector.broadcast %max3A : f32 to vector<16x5120xf32>
    %max3A_11 = arith.maximumf %add3A_9, %max3A_10 : vector<16x5120xf32>
    %get3A_12 = arith.constant 0 : index
    %get3A_13 = arith.constant 0 : index
    %get3A_14 = vector.load %arg4[%get3A_12, %get3A_13] : memref<16x16xf32, #tpu.memory_space<vmem>>, vector<16x16xf32>
    %dot_general3A_15 = arith.constant dense<0.000000e+00> : vector<16x5120xf32>
    %dot_general3A_16 = tpu.matmul %get3A_14, %max3A_11, %dot_general3A_15 {dimension_numbers = #tpu.dot_dimension_numbers<[1], [0], [0], [1], [0, 0, 1, 1], [], []>, transpose_lhs_hint = false} : vector<16x16xf32>, vector<16x5120xf32>, vector<16x5120xf32> -> vector<16x5120xf32>
    %get3A_17 = arith.constant 0 : index
    %get3A_18 = arith.constant 0 : index
    %get3A_19 = vector.load %arg5[%get3A_17, %get3A_18] : memref<16x1xf32, #tpu.memory_space<vmem>>, vector<16x1xf32>
    %add3A_20 = vector.broadcast %get3A_19 : vector<16x1xf32> to vector<16x5120xf32>
    %add3A_21 = arith.addf %dot_general3A_16, %add3A_20 : vector<16x5120xf32>
    %max3A_22 = arith.constant 0.000000e+00 : f32
    %max3A_23 = vector.broadcast %max3A_22 : f32 to vector<16x5120xf32>
    %max3A_24 = arith.maximumf %add3A_21, %max3A_23 : vector<16x5120xf32>
    %get3A_25 = arith.constant 0 : index
    %get3A_26 = arith.constant 0 : index
    %get3A_27 = vector.load %arg6[%get3A_25, %get3A_26] : memref<16x16xf32, #tpu.memory_space<vmem>>, vector<16x16xf32>
    %dot_general3A_28 = arith.constant dense<0.000000e+00> : vector<16x5120xf32>
    %dot_general3A_29 = tpu.matmul %get3A_27, %max3A_24, %dot_general3A_28 {dimension_numbers = #tpu.dot_dimension_numbers<[1], [0], [0], [1], [0, 0, 1, 1], [], []>, transpose_lhs_hint = false} : vector<16x16xf32>, vector<16x5120xf32>, vector<16x5120xf32> -> vector<16x5120xf32>
    %get3A_30 = arith.constant 0 : index
    %get3A_31 = arith.constant 0 : index
    %get3A_32 = vector.load %arg7[%get3A_30, %get3A_31] : memref<16x1xf32, #tpu.memory_space<vmem>>, vector<16x1xf32>
    %add3A_33 = vector.broadcast %get3A_32 : vector<16x1xf32> to vector<16x5120xf32>
    %add3A_34 = arith.addf %dot_general3A_29, %add3A_33 : vector<16x5120xf32>
    %get3A_35 = arith.constant 0 : index
    %get3A_36 = arith.constant 0 : index
    %get3A_37 = vector.load %arg8[%get3A_35, %get3A_36] : memref<16x16xf32, #tpu.memory_space<vmem>>, vector<16x16xf32>
    %dot_general3A_38 = arith.constant dense<0.000000e+00> : vector<16x5120xf32>
    %dot_general3A_39 = tpu.matmul %get3A_37, %add3A_34, %dot_general3A_38 {dimension_numbers = #tpu.dot_dimension_numbers<[1], [0], [0], [1], [0, 0, 1, 1], [], []>, transpose_lhs_hint = false} : vector<16x16xf32>, vector<16x5120xf32>, vector<16x5120xf32> -> vector<16x5120xf32>
    %swap3A = arith.constant 0 : index
    %swap3A_40 = arith.constant 0 : index
    %swap3A_41 = vector.load %arg9[%swap3A, %swap3A_40] : memref<16x5120xf32, #tpu.memory_space<vmem>>, vector<16x5120xf32>
    tpu.vector_store %arg9[%swap3A, %swap3A_40], %dot_general3A_39 {strides = array<i32>} : memref<16x5120xf32, #tpu.memory_space<vmem>>, vector<16x5120xf32>,
    return
  }
  func.func @transform_0(%arg0: i32) -> (i32, i32) {
    %c0_i32 = arith.constant 0 : i32
    %c0_i32_0 = arith.constant 0 : i32
    return %c0_i32, %arg0 : i32, i32
  }
  func.func @transform_1(%arg0: i32) -> (i32, i32) {
    %c0_i32 = arith.constant 0 : i32
    %c0_i32_0 = arith.constant 0 : i32
    %c0_i32_1 = arith.constant 0 : i32
    return %c0_i32, %c0_i32_0 : i32, i32
  }
  func.func @transform_2(%arg0: i32) -> (i32, i32) {
    %c0_i32 = arith.constant 0 : i32
    %c0_i32_0 = arith.constant 0 : i32
    %c0_i32_1 = arith.constant 0 : i32
    return %c0_i32, %c0_i32_0 : i32, i32
  }
  func.func @transform_3(%arg0: i32) -> (i32, i32) {
    %c0_i32 = arith.constant 0 : i32
    %c0_i32_0 = arith.constant 0 : i32
    %c0_i32_1 = arith.constant 0 : i32
    return %c0_i32, %c0_i32_0 : i32, i32
  }
  func.func @transform_4(%arg0: i32) -> (i32, i32) {
    %c0_i32 = arith.constant 0 : i32
    %c0_i32_0 = arith.constant 0 : i32
    %c0_i32_1 = arith.constant 0 : i32
    return %c0_i32, %c0_i32_0 : i32, i32
  }
  func.func @transform_5(%arg0: i32) -> (i32, i32) {
    %c0_i32 = arith.constant 0 : i32
    %c0_i32_0 = arith.constant 0 : i32
    %c0_i32_1 = arith.constant 0 : i32
    return %c0_i32, %c0_i32_0 : i32, i32
  }
  func.func @transform_6(%arg0: i32) -> (i32, i32) {
    %c0_i32 = arith.constant 0 : i32
    %c0_i32_0 = arith.constant 0 : i32
    %c0_i32_1 = arith.constant 0 : i32
    return %c0_i32, %c0_i32_0 : i32, i32
  }
  func.func @transform_7(%arg0: i32) -> (i32, i32) {
    %c0_i32 = arith.constant 0 : i32
    %c0_i32_0 = arith.constant 0 : i32
    %c0_i32_1 = arith.constant 0 : i32
    return %c0_i32, %c0_i32_0 : i32, i32
  }
  func.func @transform_8(%arg0: i32) -> (i32, i32) {
    %c0_i32 = arith.constant 0 : i32
    %c0_i32_0 = arith.constant 0 : i32
    return %c0_i32, %arg0 : i32, i32
  }
}

module attributes {stable_mosaic.version = 14 : i64} {
  func.func @_node_prep_body(%arg0: memref<10000x128xf32, #tpu.memory_space<vmem>>, %arg1: memref<128x16xf32, #tpu.memory_space<vmem>>, %arg2: memref<16xf32, #tpu.memory_space<vmem>>, %arg3: memref<16x16xf32, #tpu.memory_space<vmem>>, %arg4: memref<16xf32, #tpu.memory_space<vmem>>, %arg5: memref<16x16xf32, #tpu.memory_space<vmem>>, %arg6: memref<16xf32, #tpu.memory_space<vmem>>, %arg7: memref<16x16xf32, #tpu.memory_space<vmem>>, %arg8: memref<16xf32, #tpu.memory_space<vmem>>, %arg9: memref<16x16xf32, #tpu.memory_space<vmem>>, %arg10: memref<10000x16xf32, #tpu.memory_space<vmem>>, %arg11: memref<10000x16xf32, #tpu.memory_space<vmem>>) attributes {dimension_semantics = [], scalar_prefetch = 0 : i64, scratch_operands = 0 : i64, tpu.core_type = #tpu.core_type<tc>} {
    %get3A = arith.constant 0 : index
    %get3A_0 = arith.constant 0 : index
    %get3A_1 = vector.load %arg0[%get3A, %get3A_0] : memref<10000x128xf32, #tpu.memory_space<vmem>>, vector<10000x128xf32>
    %get3A_2 = arith.constant 0 : index
    %get3A_3 = arith.constant 0 : index
    %get3A_4 = vector.load %arg1[%get3A_2, %get3A_3] : memref<128x16xf32, #tpu.memory_space<vmem>>, vector<128x16xf32>
    %dot_general3A = arith.constant dense<0.000000e+00> : vector<10000x16xf32>
    %dot_general3A_5 = tpu.matmul %get3A_1, %get3A_4, %dot_general3A {dimension_numbers = #tpu.dot_dimension_numbers<[1], [0], [0], [1], [0, 0, 1, 1], [], []>, transpose_lhs_hint = false} : vector<10000x128xf32>, vector<128x16xf32>, vector<10000x16xf32> -> vector<10000x16xf32>
    %get3A_6 = arith.constant 0 : index
    %get3A_7 = vector.load %arg2[%get3A_6] : memref<16xf32, #tpu.memory_space<vmem>>, vector<16xf32>
    %broadcast_in_dim3A = vector.shape_cast %get3A_7 : vector<16xf32> to vector<1x16xf32>
    %add3A = vector.broadcast %broadcast_in_dim3A : vector<1x16xf32> to vector<10000x16xf32>
    %add3A_8 = arith.addf %dot_general3A_5, %add3A : vector<10000x16xf32>
    %max3A = arith.constant 0.000000e+00 : f32
    %max3A_9 = vector.broadcast %max3A : f32 to vector<10000x16xf32>
    %max3A_10 = arith.maximumf %add3A_8, %max3A_9 : vector<10000x16xf32>
    %get3A_11 = arith.constant 0 : index
    %get3A_12 = arith.constant 0 : index
    %get3A_13 = vector.load %arg3[%get3A_11, %get3A_12] : memref<16x16xf32, #tpu.memory_space<vmem>>, vector<16x16xf32>
    %dot_general3A_14 = arith.constant dense<0.000000e+00> : vector<10000x16xf32>
    %dot_general3A_15 = tpu.matmul %max3A_10, %get3A_13, %dot_general3A_14 {dimension_numbers = #tpu.dot_dimension_numbers<[1], [0], [0], [1], [0, 0, 1, 1], [], []>, transpose_lhs_hint = false} : vector<10000x16xf32>, vector<16x16xf32>, vector<10000x16xf32> -> vector<10000x16xf32>
    %get3A_16 = arith.constant 0 : index
    %get3A_17 = vector.load %arg4[%get3A_16] : memref<16xf32, #tpu.memory_space<vmem>>, vector<16xf32>
    %broadcast_in_dim3A_18 = vector.shape_cast %get3A_17 : vector<16xf32> to vector<1x16xf32>
    %add3A_19 = vector.broadcast %broadcast_in_dim3A_18 : vector<1x16xf32> to vector<10000x16xf32>
    %add3A_20 = arith.addf %dot_general3A_15, %add3A_19 : vector<10000x16xf32>
    %max3A_21 = arith.constant 0.000000e+00 : f32
    %max3A_22 = vector.broadcast %max3A_21 : f32 to vector<10000x16xf32>
    %max3A_23 = arith.maximumf %add3A_20, %max3A_22 : vector<10000x16xf32>
    %get3A_24 = arith.constant 0 : index
    %get3A_25 = arith.constant 0 : index
    %get3A_26 = vector.load %arg5[%get3A_24, %get3A_25] : memref<16x16xf32, #tpu.memory_space<vmem>>, vector<16x16xf32>
    %dot_general3A_27 = arith.constant dense<0.000000e+00> : vector<10000x16xf32>
    %dot_general3A_28 = tpu.matmul %max3A_23, %get3A_26, %dot_general3A_27 {dimension_numbers = #tpu.dot_dimension_numbers<[1], [0], [0], [1], [0, 0, 1, 1], [], []>, transpose_lhs_hint = false} : vector<10000x16xf32>, vector<16x16xf32>, vector<10000x16xf32> -> vector<10000x16xf32>
    %get3A_29 = arith.constant 0 : index
    %get3A_30 = vector.load %arg6[%get3A_29] : memref<16xf32, #tpu.memory_space<vmem>>, vector<16xf32>
    %broadcast_in_dim3A_31 = vector.shape_cast %get3A_30 : vector<16xf32> to vector<1x16xf32>
    %add3A_32 = vector.broadcast %broadcast_in_dim3A_31 : vector<1x16xf32> to vector<10000x16xf32>
    %add3A_33 = arith.addf %dot_general3A_28, %add3A_32 : vector<10000x16xf32>
    %get3A_34 = arith.constant 0 : index
    %get3A_35 = arith.constant 0 : index
    %get3A_36 = vector.load %arg7[%get3A_34, %get3A_35] : memref<16x16xf32, #tpu.memory_space<vmem>>, vector<16x16xf32>
    %dot_general3A_37 = arith.constant dense<0.000000e+00> : vector<10000x16xf32>
    %dot_general3A_38 = tpu.matmul %add3A_33, %get3A_36, %dot_general3A_37 {dimension_numbers = #tpu.dot_dimension_numbers<[1], [0], [0], [1], [0, 0, 1, 1], [], []>, transpose_lhs_hint = false} : vector<10000x16xf32>, vector<16x16xf32>, vector<10000x16xf32> -> vector<10000x16xf32>
    %get3A_39 = arith.constant 0 : index
    %get3A_40 = vector.load %arg8[%get3A_39] : memref<16xf32, #tpu.memory_space<vmem>>, vector<16xf32>
    %broadcast_in_dim3A_41 = vector.shape_cast %get3A_40 : vector<16xf32> to vector<1x16xf32>
    %add3A_42 = vector.broadcast %broadcast_in_dim3A_41 : vector<1x16xf32> to vector<10000x16xf32>
    %add3A_43 = arith.addf %dot_general3A_38, %add3A_42 : vector<10000x16xf32>
    %swap3A = arith.constant 0 : index
    %swap3A_44 = arith.constant 0 : index
    %swap3A_45 = vector.load %arg10[%swap3A, %swap3A_44] : memref<10000x16xf32, #tpu.memory_space<vmem>>, vector<10000x16xf32>
    tpu.vector_store %arg10[%swap3A, %swap3A_44], %add3A_43 {strides = array<i32>} : memref<10000x16xf32, #tpu.memory_space<vmem>>, vector<10000x16xf32>,
    %get3A_46 = arith.constant 0 : index
    %get3A_47 = arith.constant 0 : index
    %get3A_48 = vector.load %arg9[%get3A_46, %get3A_47] : memref<16x16xf32, #tpu.memory_space<vmem>>, vector<16x16xf32>
    %dot_general3A_49 = arith.constant dense<0.000000e+00> : vector<10000x16xf32>
    %dot_general3A_50 = tpu.matmul %add3A_33, %get3A_48, %dot_general3A_49 {dimension_numbers = #tpu.dot_dimension_numbers<[1], [0], [0], [1], [0, 0, 1, 1], [], []>, transpose_lhs_hint = false} : vector<10000x16xf32>, vector<16x16xf32>, vector<10000x16xf32> -> vector<10000x16xf32>
    %swap3A_51 = arith.constant 0 : index
    %swap3A_52 = arith.constant 0 : index
    %swap3A_53 = vector.load %arg11[%swap3A_51, %swap3A_52] : memref<10000x16xf32, #tpu.memory_space<vmem>>, vector<10000x16xf32>
    tpu.vector_store %arg11[%swap3A_51, %swap3A_52], %dot_general3A_50 {strides = array<i32>} : memref<10000x16xf32, #tpu.memory_space<vmem>>, vector<10000x16xf32>,
    return
  }
}

module attributes {stable_mosaic.version = 14 : i64} {
  func.func @_finalize_body(%arg0: memref<2x10240x32xf32, #tpu.memory_space<vmem>>, %arg1: memref<10000x1xi32, #tpu.memory_space<vmem>>, %arg2: memref<16xf32, #tpu.memory_space<vmem>>, %arg3: memref<16x16xf32, #tpu.memory_space<vmem>>, %arg4: memref<16xf32, #tpu.memory_space<vmem>>, %arg5: memref<16xf32, #tpu.memory_space<vmem>>, %arg6: memref<16xf32, #tpu.memory_space<vmem>>, %arg7: memref<16x1xf32, #tpu.memory_space<vmem>>, %arg8: memref<1xf32, #tpu.memory_space<vmem>>, %arg9: memref<64x1xf32, #tpu.memory_space<vmem>>, %arg10: memref<64x1xf32, #tpu.memory_space<vmem>>, %arg11: memref<64x16xf32, #tpu.memory_space<vmem>>) attributes {dimension_semantics = [], scalar_prefetch = 0 : i64, scratch_operands = 1 : i64, tpu.core_type = #tpu.core_type<tc>} {
    %get3A = arith.constant 0 : index
    %get3A_0 = arith.constant 0 : index
    %get3A_1 = arith.constant 0 : index
    %get3A_2 = vector.load %arg0[%get3A, %get3A_0, %get3A_1] : memref<2x10240x32xf32, #tpu.memory_space<vmem>>, vector<1x10000x32xf32>
    %get3A_3 = vector.shape_cast %get3A_2 : vector<1x10000x32xf32> to vector<10000x32xf32>
    %get3A_4 = arith.constant 1 : index
    %get3A_5 = arith.constant 0 : index
    %get3A_6 = arith.constant 0 : index
    %get3A_7 = vector.load %arg0[%get3A_4, %get3A_5, %get3A_6] : memref<2x10240x32xf32, #tpu.memory_space<vmem>>, vector<1x10000x32xf32>
    %get3A_8 = vector.shape_cast %get3A_7 : vector<1x10000x32xf32> to vector<10000x32xf32>
    %add3A = arith.addf %get3A_3, %get3A_8 : vector<10000x32xf32>
    %slice3A = vector.extract_strided_slice %add3A {offsets = [0, 0], sizes = [10000, 16], strides = [1, 1]} : vector<10000x32xf32> to vector<10000x16xf32>
    %slice3A_9 = vector.extract_strided_slice %add3A {offsets = [0, 16], sizes = [10000, 1], strides = [1, 1]} : vector<10000x32xf32> to vector<10000x1xf32>
    %add3A_10 = arith.constant 1.000000e-16 : f32
    %add3A_11 = vector.broadcast %add3A_10 : f32 to vector<10000x1xf32>
    %add3A_12 = arith.addf %slice3A_9, %add3A_11 : vector<10000x1xf32>
    %div3A = vector.broadcast %add3A_12 : vector<10000x1xf32> to vector<10000x16xf32>
    %div3A_13 = arith.divf %slice3A, %div3A : vector<10000x16xf32>
    %get3A_14 = arith.constant 0 : index
    %get3A_15 = vector.load %arg2[%get3A_14] : memref<16xf32, #tpu.memory_space<vmem>>, vector<16xf32>
    %broadcast_in_dim3A = vector.shape_cast %get3A_15 : vector<16xf32> to vector<1x16xf32>
    %add3A_16 = vector.broadcast %broadcast_in_dim3A : vector<1x16xf32> to vector<10000x16xf32>
    %add3A_17 = arith.addf %div3A_13, %add3A_16 : vector<10000x16xf32>
    %get3A_18 = arith.constant 0 : index
    %get3A_19 = arith.constant 0 : index
    %get3A_20 = vector.load %arg1[%get3A_18, %get3A_19] : memref<10000x1xi32, #tpu.memory_space<vmem>>, vector<10000x1xi32>
    %scan3A = arith.constant 0 : i32
    %scan3A_21 = arith.constant 64 : i32
    %scan3A_22 = arith.addi %scan3A, %scan3A_21 : i32
    %scan3A_23 = arith.constant 1 : i32
    scf.for %scan3A_102 = %scan3A to %scan3A_22 step %scan3A_23  : i32 {
      %eq3A = vector.broadcast %scan3A_102 : i32 to vector<10000x1xi32>
      %eq3A_103 = arith.cmpi eq, %get3A_20, %eq3A : vector<10000x1xi32>
      %jit3A = arith.constant 0xFF800000 : f32
      %broadcast_in_dim3A_104 = vector.shape_cast %eq3A_103 : vector<10000x1xi1> to vector<10000x1xi1>
      %broadcast_in_dim3A_105 = vector.broadcast %broadcast_in_dim3A_104 : vector<10000x1xi1> to vector<10000x16xi1>
      %broadcast_in_dim3A_106 = vector.broadcast %jit3A : f32 to vector<10000x16xf32>
      %select_n3A_107 = arith.select %broadcast_in_dim3A_105, %add3A_17, %broadcast_in_dim3A_106 : vector<10000x16xi1>, vector<10000x16xf32>
      %reduce_max3A = arith.constant dense<0xFF800000> : vector<16xf32>
      %reduce_max3A_108 = vector.multi_reduction <maximumf>, %select_n3A_107, %reduce_max3A [0] : vector<10000x16xf32> to vector<16xf32>
      %broadcast_in_dim3A_109 = vector.shape_cast %reduce_max3A_108 : vector<16xf32> to vector<1x16xf32>
      %swap3A_110 = arith.index_cast %scan3A_102 : i32 to index
      %swap3A_111 = arith.constant 0 : index
      %swap3A_112 = vector.load %arg11[%swap3A_110, %swap3A_111] : memref<64x16xf32, #tpu.memory_space<vmem>>, vector<1x16xf32>
      tpu.vector_store %arg11[%swap3A_110, %swap3A_111], %broadcast_in_dim3A_109 {strides = array<i32>} : memref<64x16xf32, #tpu.memory_space<vmem>>, vector<1x16xf32>,
    }
    %scan3A_24 = arith.constant 64 : i32
    %get3A_25 = arith.constant 0 : index
    %get3A_26 = arith.constant 0 : index
    %get3A_27 = vector.load %arg11[%get3A_25, %get3A_26] : memref<64x16xf32, #tpu.memory_space<vmem>>, vector<64x16xf32>
    %convert_element_type3A = arith.truncf %get3A_27 : vector<64x16xf32> to vector<64x16xbf16>
    %convert_element_type3A_28 = arith.extf %convert_element_type3A : vector<64x16xbf16> to vector<64x16xf32>
    %get3A_29 = arith.constant 0 : index
    %get3A_30 = arith.constant 0 : index
    %get3A_31 = vector.load %arg3[%get3A_29, %get3A_30] : memref<16x16xf32, #tpu.memory_space<vmem>>, vector<16x16xf32>
    %convert_element_type3A_32 = arith.truncf %get3A_31 : vector<16x16xf32> to vector<16x16xbf16>
    %convert_element_type3A_33 = arith.extf %convert_element_type3A_32 : vector<16x16xbf16> to vector<16x16xf32>
    %dot_general3A = arith.constant dense<0.000000e+00> : vector<64x16xf32>
    %dot_general3A_34 = tpu.matmul %convert_element_type3A_28, %convert_element_type3A_33, %dot_general3A {dimension_numbers = #tpu.dot_dimension_numbers<[1], [0], [0], [1], [0, 0, 1, 1], [], []>, transpose_lhs_hint = false} : vector<64x16xf32>, vector<16x16xf32>, vector<64x16xf32> -> vector<64x16xf32>
    %get3A_35 = arith.constant 0 : index
    %get3A_36 = vector.load %arg4[%get3A_35] : memref<16xf32, #tpu.memory_space<vmem>>, vector<16xf32>
    %broadcast_in_dim3A_37 = vector.shape_cast %get3A_36 : vector<16xf32> to vector<1x16xf32>
    %add3A_38 = vector.broadcast %broadcast_in_dim3A_37 : vector<1x16xf32> to vector<64x16xf32>
    %add3A_39 = arith.addf %dot_general3A_34, %add3A_38 : vector<64x16xf32>
    %reduce_sum3A = arith.constant dense<0.000000e+00> : vector<16xf32>
    %reduce_sum3A_40 = vector.multi_reduction <add>, %add3A_39, %reduce_sum3A [0] : vector<64x16xf32> to vector<16xf32>
    %div3A_41 = arith.constant 6.400000e+01 : f32
    %div3A_42 = vector.broadcast %div3A_41 : f32 to vector<16xf32>
    %div3A_43 = arith.divf %reduce_sum3A_40, %div3A_42 : vector<16xf32>
    %broadcast_in_dim3A_44 = vector.shape_cast %div3A_43 : vector<16xf32> to vector<1x16xf32>
    %sub3A = vector.broadcast %broadcast_in_dim3A_44 : vector<1x16xf32> to vector<64x16xf32>
    %sub3A_45 = arith.subf %add3A_39, %sub3A : vector<64x16xf32>
    %broadcast_in_dim3A_46 = vector.shape_cast %div3A_43 : vector<16xf32> to vector<1x16xf32>
    %sub3A_47 = vector.broadcast %broadcast_in_dim3A_46 : vector<1x16xf32> to vector<64x16xf32>
    %sub3A_48 = arith.subf %add3A_39, %sub3A_47 : vector<64x16xf32>
    %mul3A = arith.mulf %sub3A_45, %sub3A_48 : vector<64x16xf32>
    %reduce_sum3A_49 = arith.constant dense<0.000000e+00> : vector<16xf32>
    %reduce_sum3A_50 = vector.multi_reduction <add>, %mul3A, %reduce_sum3A_49 [0] : vector<64x16xf32> to vector<16xf32>
    %div3A_51 = arith.constant 6.400000e+01 : f32
    %div3A_52 = vector.broadcast %div3A_51 : f32 to vector<16xf32>
    %div3A_53 = arith.divf %reduce_sum3A_50, %div3A_52 : vector<16xf32>
    %broadcast_in_dim3A_54 = vector.shape_cast %div3A_43 : vector<16xf32> to vector<1x16xf32>
    %sub3A_55 = vector.broadcast %broadcast_in_dim3A_54 : vector<1x16xf32> to vector<64x16xf32>
    %sub3A_56 = arith.subf %add3A_39, %sub3A_55 : vector<64x16xf32>
    %add3A_57 = arith.constant 9.99999974E-6 : f32
    %add3A_58 = vector.broadcast %add3A_57 : f32 to vector<16xf32>
    %add3A_59 = arith.addf %div3A_53, %add3A_58 : vector<16xf32>
    %rsqrt3A = math.rsqrt %add3A_59 : vector<16xf32>
    %broadcast_in_dim3A_60 = vector.shape_cast %rsqrt3A : vector<16xf32> to vector<1x16xf32>
    %mul3A_61 = vector.broadcast %broadcast_in_dim3A_60 : vector<1x16xf32> to vector<64x16xf32>
    %mul3A_62 = arith.mulf %sub3A_56, %mul3A_61 : vector<64x16xf32>
    %get3A_63 = arith.constant 0 : index
    %get3A_64 = vector.load %arg5[%get3A_63] : memref<16xf32, #tpu.memory_space<vmem>>, vector<16xf32>
    %broadcast_in_dim3A_65 = vector.shape_cast %get3A_64 : vector<16xf32> to vector<1x16xf32>
    %mul3A_66 = vector.broadcast %broadcast_in_dim3A_65 : vector<1x16xf32> to vector<64x16xf32>
    %mul3A_67 = arith.mulf %mul3A_62, %mul3A_66 : vector<64x16xf32>
    %get3A_68 = arith.constant 0 : index
    %get3A_69 = vector.load %arg6[%get3A_68] : memref<16xf32, #tpu.memory_space<vmem>>, vector<16xf32>
    %broadcast_in_dim3A_70 = vector.shape_cast %get3A_69 : vector<16xf32> to vector<1x16xf32>
    %add3A_71 = vector.broadcast %broadcast_in_dim3A_70 : vector<1x16xf32> to vector<64x16xf32>
    %add3A_72 = arith.addf %mul3A_67, %add3A_71 : vector<64x16xf32>
    %ge3A = arith.constant 0.000000e+00 : f32
    %ge3A_73 = vector.broadcast %ge3A : f32 to vector<64x16xf32>
    %ge3A_74 = arith.cmpf oge, %add3A_72, %ge3A_73 : vector<64x16xf32>
    %mul3A_75 = arith.constant 0.00999999977 : f32
    %mul3A_76 = vector.broadcast %mul3A_75 : f32 to vector<64x16xf32>
    %mul3A_77 = arith.mulf %mul3A_76, %add3A_72 : vector<64x16xf32>
    %select_n3A = arith.select %ge3A_74, %add3A_72, %mul3A_77 : vector<64x16xi1>, vector<64x16xf32>
    %convert_element_type3A_78 = arith.truncf %select_n3A : vector<64x16xf32> to vector<64x16xbf16>
    %convert_element_type3A_79 = arith.extf %convert_element_type3A_78 : vector<64x16xbf16> to vector<64x16xf32>
    %get3A_80 = arith.constant 0 : index
    %get3A_81 = arith.constant 0 : index
    %get3A_82 = vector.load %arg7[%get3A_80, %get3A_81] : memref<16x1xf32, #tpu.memory_space<vmem>>, vector<16x1xf32>
    %convert_element_type3A_83 = arith.truncf %get3A_82 : vector<16x1xf32> to vector<16x1xbf16>
    %convert_element_type3A_84 = arith.extf %convert_element_type3A_83 : vector<16x1xbf16> to vector<16x1xf32>
    %dot_general3A_85 = arith.constant dense<0.000000e+00> : vector<64x1xf32>
    %dot_general3A_86 = tpu.matmul %convert_element_type3A_79, %convert_element_type3A_84, %dot_general3A_85 {dimension_numbers = #tpu.dot_dimension_numbers<[1], [0], [0], [1], [0, 0, 1, 1], [], []>, transpose_lhs_hint = false} : vector<64x16xf32>, vector<16x1xf32>, vector<64x1xf32> -> vector<64x1xf32>
    %get3A_87 = arith.constant 0 : index
    %get3A_88 = vector.load %arg8[%get3A_87] : memref<1xf32, #tpu.memory_space<vmem>>, vector<1xf32>
    %broadcast_in_dim3A_89 = vector.shape_cast %get3A_88 : vector<1xf32> to vector<1x1xf32>
    %add3A_90 = vector.broadcast %broadcast_in_dim3A_89 : vector<1x1xf32> to vector<64x1xf32>
    %add3A_91 = arith.addf %dot_general3A_86, %add3A_90 : vector<64x1xf32>
    %swap3A = arith.constant 0 : index
    %swap3A_92 = arith.constant 0 : index
    %swap3A_93 = vector.load %arg9[%swap3A, %swap3A_92] : memref<64x1xf32, #tpu.memory_space<vmem>>, vector<64x1xf32>
    tpu.vector_store %arg9[%swap3A, %swap3A_92], %add3A_91 {strides = array<i32>} : memref<64x1xf32, #tpu.memory_space<vmem>>, vector<64x1xf32>,
    %logistic3A = arith.negf %add3A_91 : vector<64x1xf32>
    %logistic3A_94 = math.exp %logistic3A : vector<64x1xf32>
    %logistic3A_95 = arith.constant 1.000000e+00 : f32
    %logistic3A_96 = vector.broadcast %logistic3A_95 : f32 to vector<64x1xf32>
    %logistic3A_97 = arith.addf %logistic3A_96, %logistic3A_94 : vector<64x1xf32>
    %logistic3A_98 = arith.divf %logistic3A_96, %logistic3A_97 : vector<64x1xf32>
    %swap3A_99 = arith.constant 0 : index
    %swap3A_100 = arith.constant 0 : index
    %swap3A_101 = vector.load %arg10[%swap3A_99, %swap3A_100] : memref<64x1xf32, #tpu.memory_space<vmem>>, vector<64x1xf32>
    tpu.vector_store %arg10[%swap3A_99, %swap3A_100], %logistic3A_98 {strides = array<i32>} : memref<64x1xf32, #tpu.memory_space<vmem>>, vector<64x1xf32>,
    return
  }
}

</mosaic_0001>

<sc_bundles>
// kernel: kernel.6.cloned.1.call-start
scs
__scs_entry_jumppad:
0x0: {  	(pc) =	sbr.rel $0x88, $3  }
0x1: {  	(tag) =	ssettag $0x0;
	lr =	simm.s32 $0x1  }
0x2: {  	[smem:$0x3F85] =	sst lr;
	_ =	strace $0xD0000000  }
0x3: {  	_ = 	snop  }
0x4: {  	_ = 	snop  }
0x5: {  	_ = 	snop  }
0x6: {  	_ = 	snop  }
0x7: {  	_ = 	snop  }
__scs_overlays_trampoline_lowered:
0x8: {  	[smem:$0x3F94] =	sst s0  }
0x9: {  	[smem:$0x3F95] =	sst s1  }
0xa: {  	[smem:$0x3F96] =	sst s2  }
0xb: {  	[smem:$0x3F97] =	sst s3  }
0xc: {  	[smem:$0x3F98] =	sst s4  }
0xd: {  	[smem:$0x3F99] =	sst s5  }
0xe: {  	[smem:$0x3F9A] =	sst s6  }
0xf: {  	[smem:$0x3F9B] =	sst s7  }
0x10: {  	[smem:$0x3F9C] =	sst s8  }
0x11: {  	[smem:$0x3F9D] =	sst s9;
	s0 =	simm.s32 @!p0 $0x0  }
0x12: {  	s1 =	sld [smem:$0x3F83];
	s0 =	simm.s32 @p0 $0x1  }
0x13: {  	[smem:$0x3F9E] =	sst s0;
	s0 =	simm.s32 @!p1 $0x0  }
0x14: {  	s2 =	sld [smem:$0x3F82];
	s0 =	simm.s32 @p1 $0x1  }
0x15: {  	[smem:$0x3F9F] =	sst s0;
	s0 =	simm.s32 @!p2 $0x0  }
0x16: {  	s3 =	sld [smem:$0x3FDB];
	s0 =	simm.s32 @p2 $0x1  }
0x17: {  	s4 =	simm.s32 $0x1BF5;
	[smem:$0x3FA1] =	sst s0  }
0x18: {  	s0 =	sld [smem:$0x3F84];
	_ =	swait.ge [sflag:s4], $0x0  }
0x19: {  	s7 =	sld [smem:$0x3F85]  }
0x1a: {  	s8 =	sadd.s32 $0xFFFFE003, lr  }
0x1b: {  	s9 =	sadd.s32 $0xFFFFFEF7, lr;
	s5 =	simm.s32 $0xFFFFFFFF;
	p2 =	slt.u32 s8, $0xFFFFF086  }
0x1c: {  	p1 =	slt.u32 s9, $0xF7A;
	s5 =	simm.s32 @!p2 $0x0  }
0x1d: {  	s5 =	simm.s32 @p1 $0x1;
	p0 =	seq.s32 s7, s2  }
0x1e: {  	s7 =	smul.u32 @!p0 $0xF7A, s2;
	p2 =	seq.s32 @!p0 s5, $0x0  }
0x1f: {  	s9 =	smul.u32 $0xF7A, s1;
	s8 =	simm.s32 @!p0 $0x1BF5;
	p2 =	por !p2, p0  }
0x20: {  	[sflag:s8] =	ssyncset.s32 @!p0 $0xFFFFF086;
	s6 =	sadd.s32 @!p0 s3, s7;
	s7 =	simm.s32 @!p0 $0x108  }
0x21: {  	s3 =	sadd.s32 s3, s9;
	s6 =	sadd.s32 @!p0 $0x88, s6;
	s7 =	simm.s32 @p2 $0x1082  }
0x22: {  	[simem:s7], [sflag:s8] =	dma.local @!p0 [hbm:s6], $0xF7A  }
0x23: {  	s9 =	sor.u32 $0xD0000000, s2;
	s6 =	simm.s32 $0x108;
	_ =	swait.ge @!p0 [sflag:s8], $0x0  }
0x24: {  	s3 =	sadd.s32 $0x88, s3;
	s6 =	simm.s32 @!p1 $0x1082;
	[sflag:s4] =	ssyncset.s32 $0xFFFFF086  }
0x25: {  	[simem:s6], [sflag:s4] =	dma.local [hbm:s3], $0xF7A  }
0x26: {  	[smem:$0x3F85] =	sst s1;
	(tag) =	ssettag s2;
	_ =	strace s9  }
0x27: {  	s1 =	sld [smem:$0x3F95]  }
0x28: {  	s2 =	sld [smem:$0x3F96]  }
0x29: {  	s4 =	sld [smem:$0x3F98]  }
0x2a: {  	p0 =	seq.s32 s5, $0x0;
	s5 =	sld [smem:$0x3F99]  }
0x2b: {  	s6 =	sld [smem:$0x3F9A]  }
0x2c: {  	s7 =	sld [smem:$0x3F9B]  }
0x2d: {  	s3 =	simm.s32 $0x108;
	s8 =	sld [smem:$0x3F9C]  }
0x2e: {  	s3 =	simm.s32 @!p0 $0x1082;
	s9 =	sld [smem:$0x3F9D]  }
0x2f: {  	lr =	sadd.s32 s0, s3;
	s0 =	sld [smem:$0x3F94]  }
0x30: {  	s3 =	sld [smem:$0x3F97]  }
0x31: {  	[smem:$0x3FA0] =	sst s10  }
0x32: {  	s10 =	sld [smem:$0x3F9E];
	_ =	sdelay $0x3  }
0x33: {  	p0 =	seq.s32 s10, $0x1;
	s10 =	sld [smem:$0x3FA0];
	_ =	sdelay $0x3  }
0x34: {  	[smem:$0x3FA0] =	sst s10  }
0x35: {  	s10 =	sld [smem:$0x3F9F];
	_ =	sdelay $0x3  }
0x36: {  	p1 =	seq.s32 s10, $0x1;
	s10 =	sld [smem:$0x3FA0];
	_ =	sdelay $0x3  }
0x37: {  	[smem:$0x3FA0] =	sst s10  }
0x38: {  	s10 =	sld [smem:$0x3FA1]  }
0x39: {  	_ = 	snop;
	(pc) =	sbr.ind lr, $3  }
0x3a: {  	_ = 	snop  }
0x3b: {  	_ = 	snop  }
0x3c: {  	p2 =	seq.s32 s10, $0x1;
	s10 =	sld [smem:$0x3FA0]  }
0x3d: {  	_ =	shalt  }
0x3e: {  	_ =	shalt  }
0x3f: {  	_ =	shalt  }
0x40: {  	_ =	shalt  }
0x41: {  	_ =	shalt  }
0x42: {  	_ =	shalt  }
0x43: {  	_ =	shalt  }
0x44: {  	_ =	shalt  }
0x45: {  	_ =	shalt  }
0x46: {  	_ =	shalt  }
0x47: {  	_ =	shalt  }
0x48: {  	_ =	shalt  }
0x49: {  	_ =	shalt  }
0x4a: {  	_ =	shalt  }
0x4b: {  	_ =	shalt  }
0x4c: {  	_ =	shalt  }
0x4d: {  	_ =	shalt  }
0x4e: {  	_ =	shalt  }
0x4f: {  	_ =	shalt  }
0x50: {  	_ =	shalt  }
0x51: {  	_ =	shalt  }
0x52: {  	_ =	shalt  }
0x53: {  	_ =	shalt  }
0x54: {  	_ =	shalt  }
0x55: {  	_ =	shalt  }
0x56: {  	_ =	shalt  }
0x57: {  	_ =	shalt  }
0x58: {  	_ =	shalt  }
0x59: {  	_ =	shalt  }
0x5a: {  	_ =	shalt  }
0x5b: {  	_ =	shalt  }
0x5c: {  	_ =	shalt  }
0x5d: {  	_ =	shalt  }
0x5e: {  	_ =	shalt  }
0x5f: {  	_ =	shalt  }
0x60: {  	_ =	shalt  }
0x61: {  	_ =	shalt  }
0x62: {  	_ =	shalt  }
0x63: {  	_ =	shalt  }
0x64: {  	_ =	shalt  }
0x65: {  	_ =	shalt  }
0x66: {  	_ =	shalt  }
0x67: {  	_ =	shalt  }
0x68: {  	_ =	shalt  }
0x69: {  	_ =	shalt  }
0x6a: {  	_ =	shalt  }
0x6b: {  	_ =	shalt  }
0x6c: {  	_ =	shalt  }
0x6d: {  	_ =	shalt  }
0x6e: {  	_ =	shalt  }
0x6f: {  	_ =	shalt  }
0x70: {  	_ =	shalt  }
0x71: {  	_ =	shalt  }
0x72: {  	_ =	shalt  }
0x73: {  	_ =	shalt  }
0x74: {  	_ =	shalt  }
0x75: {  	_ =	shalt  }
0x76: {  	_ =	shalt  }
0x77: {  	_ =	shalt  }
0x78: {  	_ =	shalt  }
0x79: {  	_ =	shalt  }
0x7a: {  	_ =	shalt  }
0x7b: {  	_ =	shalt  }
0x7c: {  	_ =	shalt  }
0x7d: {  	_ =	shalt  }
0x7e: {  	_ =	shalt  }
0x7f: {  	_ =	shalt  }
0x80: {  	_ =	shalt  }
0x81: {  	_ =	shalt  }
0x82: {  	_ =	shalt  }
0x83: {  	_ =	shalt  }
0x84: {  	_ =	shalt  }
0x85: {  	_ =	shalt  }
0x86: {  	_ =	shalt  }
0x87: {  	_ =	shalt  }
.Lfunc_end0:
.L_simem_size_0:
called_computation.1_lowered:
.L_overlay_start_0:
0x88: {  	s2 =	sld [smem:$0x3FD9]  }
0x89: {  	s3 =	sld [smem:$0x3FFE];
	_ =	sdelay $0x1  }
0x8a: {  	s1 =	srdreg.scid  }
0x8b: {  	s0 =	sand.u32 $0x1, s1  }
0x8c: {  	s16 =	sshll.u32 s0, $0xA;
	s2 =	sadd.s32 s3, s2  }
0x8d: {  	s2 =	sadd.s32 s2, s16  }
0x8e: {  	[smem:$0x3FAC] =	sst s2  }
0x8f: {  	_ = 	snop  }
0x90: {  	(tm) =	ssettm $0x1  }
0x91: {  	s17 =	sld [smem:$0x3FFB];
	_ =	sdelay $0x3  }
0x92: {  	_ =	strace s17  }
0x93: {  	s2 =	sld [smem:$0x3FFC];
	_ =	sdelay $0x3  }
0x94: {  	_ =	strace s2  }
0x95: {  	s2 =	sld [smem:$0x3FFD];
	_ =	sdelay $0x3  }
0x96: {  	_ =	strace s2  }
0x97: {  	_ =	strace $0x8FFFFFFF  }
0x98: {  	s18 =	sld [smem:$0x3FDB];
	_ =	sdelay $0x1  }
0x99: {  	s19 =	simm.s32 $_scs_section_size  }
0x9a: {  	s4 =	simm.s32 $_size__tile_overlayer_lowered;
	s5 =	simm.s32 $_tile_overlayer_lowered  }
0x9b: {  	s22 =	simm.s32 $0x1BFF;
	s21 =	sshll.u32 s5, $0x1;
	s2 =	sadd.s32 s19, s18  }
0x9c: {  	s6 =	simm.s32 $0x0;
	s20 =	sshll.u32 s4, $0x1;
	s4 =	sadd.s32 s21, s2  }
0x9d: {  	[timem:s6], [sflag:s22] =	dma.local [hbm:s4], s20  }
0x9e: {  	_ =	swait.ge [sflag:s22], s20  }
0x9f: {  	s3 =	ssub.s32 $0x0, s20;
	[sflag:s22] =	ssyncset.done $0x0  }
0xa0: {  	[sflag:s22] =	ssyncadd.s32 s3;
	_ =	sdelay $0x1  }
0xa1: {  	s23 =	simm.s32 $0x1B8B  }
0xa2: {  	_ =	swait.ge [sflag:s23], $0x1  }
0xa3: {  	[sflag:s23] =	ssyncset.done $0x0  }
0xa4: {  	s25 =	simm.s32 $0x1B8E;
	s24 =	sld [smem:$0x3FFE];
	[sflag:s23] =	ssyncadd.s32 $0xFFFFFFFF  }
0xa5: {  	s26 =	simm.s32 $execute0_lowered;
	[smem:$0x3FD2] =	sst s25  }
0xa6: {  	s4 =	sshll.u32 s26, $0x1;
	_ =	strace $0x80000049;
	[dreg:$0x1] =	wrdreg $0xFFFFFFFF  }
0xa7: {  	s28 =	simm.s32 $_size_execute0_lowered;
	s2 =	sadd.s32 s2, s4;
	[dreg:$0x0] =	wrdreg $0x0  }
0xa8: {  	s4 =	sshll.u32 s28, $0x1;
	[dreg:$0x2] =	wrdreg s2  }
0xa9: {  	[dreg:$0x3] =	wrdreg s4  }
0xaa: {  	[dreg:$0x4] =	wrdreg $0xC0  }
0xab: {  	_ =	task [dreg:s6], $0x5FFFF  }
0xac: {  	[dreg:$0x1] =	wrdreg $0xFFFFFFFF  }
0xad: {  	[dreg:$0x0] =	wrdreg $0x60  }
0xae: {  	[dreg:$0x2] =	wrdreg s24  }
0xaf: {  	[dreg:$0x3] =	wrdreg $0xF5000  }
0xb0: {  	[dreg:$0x4] =	wrdreg $0x9  }
0xb1: {  	_ =	task.clear_ibuf [dreg:s6], $0x5FFFF;
	_ =	strace $0x90000049  }
0xb2: {  	s29 =	simm.s32 $0x9;
	_ =	strace $0x8000004B  }
0xb3: {  	_ =	swait.ge [sflag:s29], $0x1  }
0xb4: {  	[sflag:s29] =	ssyncadd.s32 $0xFFFFFFFF  }
0xb5: {  	_ =	strace $0x9000004B  }
0xb6: {  	_ =	sfence  }
0xb7: {  	s30 =	sld [smem:$0x0];
	_ =	sdelay $0x2  }
0xb8: {  	s31 =	sshll.u32 s1, $0xD;
	s1 =	sshrl.u32 s1, $0x2  }
0xb9: {  	s3 =	sand.u32 $0x4000, s31;
	s1 =	sadd.s32 s1, s30  }
0xba: {  	s0 =	sor.u32 s3, s0;
	s1 =	sshll.u32 s1, $0x11  }
0xbb: {  	s0 =	sor.u32 s1, s0  }
0xbc: {  	s0 =	sadd.s32 $0x8F2B, s0  }
0xbd: {  	[sflag:s0] =	ssyncadd.remote.s32 $0x1  }
0xbe: {  	_ =	sfence.sel $0xFFFF  }
0xbf: {  	[dreg:$0x0] =	wrdreg $0xFFFFFFFF;
	(pc) =	sbr.abs _section_cstart, $3  }
0xc0: {  	[dreg:$0x1] =	wrdreg $0xFFFFFFFF  }
0xc1: {  	_ =	task.clear_ibuf [dreg:s6], $0x2FFFF;
	_ =	strace $0x9FFFFFFF  }
0xc2: {  	(tm) =	ssettm $0x7FFFFFFF  }
0xc3: {  	_ =	shalt  }
tec
execute0_lowered:
.L_overlay_start_1:
0x0: {  	(tag) =	ssettag $0x1  }
0x1: {  	s0 =	rddreg [dreg:$0x0]  }
0x2: {  	s1 =	rddreg [dreg:$0x1];
	s15 =	simm.s32 $0x0  }
0x3: {  	s2 =	srdreg.scid;
	s11 =	stileid.u32;
	s17 =	simm.s32 $0x4  }
0x4: {  	s20 =	simm.s32 $0x200;
	s29 =	simm.s32 $0x2400;
	s30 =	simm.s32 $0x4400  }
0x5: {  	s18 =	simm.s32 $0x6400;
	s22 =	simm.s32 $0x9400;
	[smem:$0x7FF] =	sst s15  }
0x6: {  	s28 =	simm.s32 $0x80;
	s4 =	sadd.s32 $0x143C00, s0;
	s5 =	sadd.s32 $0x157C00, s0  }
0x7: {  	s3 =	smul.u32 $0x5000, s11;
	s6 =	sadd.s32 $0x3C00, s0;
	s7 =	sadd.s32 $0x16BC00, s0  }
0x8: {  	s31 =	simm.s32 $0x3;
	s8 =	sadd.s32 $0x170C00, s0;
	s10 =	sadd.s32 $0x175C00, s0  }
0x9: {  	s2 =	sand.u32 $0x1, s2;
	s13 =	sadd.s32 $0x157C20, s0;
	s14 =	sadd.s32 $0x157C30, s0  }
0xa: {  	s11 =	sshll.u32 s11, $0x1;
	_ =	strace $0x8000004A;
	s9 =	smul.u32 $0x50000, s2  }
0xb: {  	[dreg:$0x4] =	wrdreg s10;
	s23 =	ssub.s32 $0x2, s2;
	s2 =	sor.u32 s2, s11  }
0xc: {  	s11 =	simm.s32 $0x2;
	s12 =	sshrl.u32 s23, $0x1;
	s10 =	smul.u32 $0xA0, s2  }
0xd: {  	s16 =	sadd.s32 s3, s1;
	s9 =	sadd.s32 s3, s9;
	s24 =	ssub.s32 s23, s12  }
0xe: {  	s12 =	sadd.s32 $0x157C10, s0;
	s23 =	simm.s32 $0x280;
	s9 =	sshrl.u32 s9, $0x3  }
0xf: {  	[dreg:$0x5] =	wrdreg s16;
	s26 =	smax.u32 s24, $0x1;
	s9 =	sadd.s32 s9, s0  }
0x10: {  	s24 =	simm.s32 $0x300;
	[dreg:$0x7] =	wrdreg s26;
	s25 =	sadd.s32 $0x175E00, s9  }
0x11: {  	v0 =	vimm.f32 $0.0e+00;
	v1 =	vlaneseq.u32;
	s26 =	simm.s32 $0x1;
	[dreg:$0x6] =	wrdreg s25;
	s25 =	simm.s32 $0x380  }
.LBB2_1:
0x12: {  	[dreg:$0x3] =	wrdreg s15;
	s0 =	simm.s32 $0x80;
	s3 =	simm.s32 $0x0  }
.LBB2_2:
0x13: {  	p0 =	sne.s32 s0, $0x13F80;
	[tilespmem:s3+$0xA500] =	vst v0;
	s9 =	smov.u32 s0;
	s0 =	sadd.s32 $0x80, s0  }
.Ltmp0:
0x14: {  	[tilespmem:s3+$0xA510] =	vst v0;
	(pc) =	sbr.rel @p0 .LBB2_2-.Ltmp0, $2  }
0x15: {  	_ =	sdelay $0x2  }
0x16: {  	s3 =	sshra.s32 s9, $0x2  }
0x17: {  	[tilespmem:s3+$0xA500] =	vst v0  }
0x18: {  	[tilespmem:s3+$0xA510] =	vst v0;
	s0 =	simm.s32 $0xA500  }
0x19: {  	[spmem:s16] =	stream.linear.scatter [tilespmem:s0], [sflag:$0x4], $0x5000, $0x38;
	[tilespmem:$0x14500] =	vst v63  }
0x1a: {  	_ =	swait.ge [sflag:s17], $0x5000  }
0x1b: {  	s21 =	simm.s32 $0xA400;
	[sflag:s17] =	ssyncset.done $0x0  }
0x1c: {  	s0 =	simm.s32 $0x0;
	s2 =	rddreg [dreg:$0x4];
	[sflag:s17] =	ssyncadd.s32 $0xFFFFB000  }
0x1d: {  	[tilespmem:s21], [sflag:$0x4] =	stream.linear.gather [hbm4b:s2+s0], $0x100, $0x38;
	[tilespmem:$0x14500] =	vst v63  }
0x1e: {  	_ =	swait.ge [sflag:s17], $0x100  }
0x1f: {  	[sflag:s17] =	ssyncset.done $0x0  }
0x20: {  	[sflag:s17] =	ssyncadd.s32 $0xFFFFFF00  }
0x21: {  	s17 =	simm.s32 $0x0;
	[bflag:$0x0] =	sbarrier.arrive $0xFFFF  }
.LBB2_4:
0x22: {  	s3 =	sshll.u32 s17, $0x2  }
0x23: {  	s19 =	sadd.s32 s10, s3  }
0x24: {  	s3 =	sshll.u32 s19, $0x4  }
0x25: {  	s9 =	sadd.s32 s4, s3  }
0x26: {  	[tilespmem:s0], [sflag:$0x1] =	stream.linear.gather [hbm4b:s9+s0], $0x200, $0x38;
	[tilespmem:$0x14500] =	vst v63  }
0x27: {  	s2 =	simm.s32 $0xA0000;
	s15 =	simm.s32 $0x400;
	s21 =	sadd.s32 s6, s3  }
0x28: {  	[tilespmem:s15], [sflag:$0x1] =	stream.strided.gather [hbm4b:s21+s20], $0x2000, s2, s20, $0x38;
	[tilespmem:$0x14500] =	vst v63  }
0x29: {  	s16 =	sadd.s32 s5, s3  }
0x2a: {  	[tilespmem:s20], [sflag:$0x1] =	stream.linear.gather [hbm4b:s16+s0], $0x80, $0x38;
	[tilespmem:$0x14500] =	vst v63  }
0x2b: {  	s21 =	sadd.s32 s3, s12  }
0x2c: {  	[tilespmem:s23], [sflag:$0x1] =	stream.linear.gather [hbm4b:s21+s0], $0x80, $0x38;
	[tilespmem:$0x14500] =	vst v63  }
0x2d: {  	s2 =	sadd.s32 s3, s13  }
0x2e: {  	[tilespmem:s24], [sflag:$0x1] =	stream.linear.gather [hbm4b:s2+s0], $0x80, $0x38;
	[tilespmem:$0x14500] =	vst v63  }
0x2f: {  	s3 =	sadd.s32 s3, s14  }
0x30: {  	[tilespmem:s25], [sflag:$0x1] =	stream.linear.gather [hbm4b:s3+s0], $0x80, $0x38;
	[tilespmem:$0x14500] =	vst v63  }
0x31: {  	_ =	swait.ge [sflag:s26], $0x200  }
0x32: {  	[sflag:s26] =	ssyncset.done $0x0  }
0x33: {  	[sflag:s26] =	ssyncadd.s32 $0xFFFFFE00  }
0x34: {  	_ =	swait.ge [sflag:s26], $0x2000  }
0x35: {  	[sflag:s26] =	ssyncset.done $0x0  }
0x36: {  	[sflag:s26] =	ssyncadd.s32 $0xFFFFE000  }
0x37: {  	_ =	swait.ge [sflag:s26], $0x80  }
0x38: {  	[sflag:s26] =	ssyncset.done $0x0  }
0x39: {  	[sflag:s26] =	ssyncadd.s32 $0xFFFFFF80  }
0x3a: {  	_ =	swait.ge [sflag:s26], $0x80  }
0x3b: {  	[sflag:s26] =	ssyncset.done $0x0  }
0x3c: {  	[sflag:s26] =	ssyncadd.s32 $0xFFFFFF80  }
0x3d: {  	_ =	swait.ge [sflag:s26], $0x80  }
0x3e: {  	[sflag:s26] =	ssyncset.done $0x0  }
0x3f: {  	[sflag:s26] =	ssyncadd.s32 $0xFFFFFF80  }
0x40: {  	_ =	swait.ge [sflag:s26], $0x80  }
0x41: {  	[sflag:s26] =	ssyncset.done $0x0  }
0x42: {  	[sflag:s26] =	ssyncadd.s32 $0xFFFFFF80  }
0x43: {  	[tilespmem:s29], [sflag:$0x2] =	stream.indirect.gather [hbm4b:s7+s28], $0x10, s0, s28, $0xb8;
	[tilespmem:$0x14500] =	vst v63  }
0x44: {  	_ = 	snop  }
0x45: {  	[tilespmem:s30], [sflag:$0x2] =	stream.indirect.gather [hbm4b:s8+s28], $0x10, s20, s28, $0xb8;
	[tilespmem:$0x14500] =	vst v63  }
0x46: {  	s9 =	simm.s32 $0x2C00  }
0x47: {  	[tilespmem:s9], [sflag:$0x2] =	stream.indirect.gather [hbm4b:s7+s28], $0x10, s28, s28, $0xb8;
	[tilespmem:$0x14500] =	vst v63  }
0x48: {  	s15 =	simm.s32 $0x4C00  }
0x49: {  	[tilespmem:s15], [sflag:$0x2] =	stream.indirect.gather [hbm4b:s8+s28], $0x10, s23, s28, $0xb8;
	[tilespmem:$0x14500] =	vst v63  }
0x4a: {  	s16 =	simm.s32 $0x100;
	s21 =	simm.s32 $0x3400  }
0x4b: {  	[tilespmem:s21], [sflag:$0x2] =	stream.indirect.gather [hbm4b:s7+s28], $0x10, s16, s28, $0xb8;
	[tilespmem:$0x14500] =	vst v63  }
0x4c: {  	s9 =	simm.s32 $0x5400  }
0x4d: {  	[tilespmem:s9], [sflag:$0x2] =	stream.indirect.gather [hbm4b:s8+s28], $0x10, s24, s28, $0xb8;
	[tilespmem:$0x14500] =	vst v63  }
0x4e: {  	s15 =	simm.s32 $0x180;
	s16 =	simm.s32 $0x3C00  }
0x4f: {  	[tilespmem:s16], [sflag:$0x2] =	stream.indirect.gather [hbm4b:s7+s28], $0x10, s15, s28, $0xb8;
	[tilespmem:$0x14500] =	vst v63  }
0x50: {  	s21 =	simm.s32 $0x5C00  }
0x51: {  	[tilespmem:s21], [sflag:$0x2] =	stream.indirect.gather [hbm4b:s8+s28], $0x10, s25, s28, $0xb8;
	[tilespmem:$0x14500] =	vst v63  }
0x52: {  	_ =	swait.ge [sflag:s11], $0x800  }
0x53: {  	[sflag:s11] =	ssyncset.done $0x0  }
0x54: {  	[sflag:s11] =	ssyncadd.s32 $0xFFFFF800  }
0x55: {  	_ =	swait.ge [sflag:s11], $0x800  }
0x56: {  	[sflag:s11] =	ssyncset.done $0x0  }
0x57: {  	[sflag:s11] =	ssyncadd.s32 $0xFFFFF800  }
0x58: {  	_ =	swait.ge [sflag:s11], $0x800  }
0x59: {  	[sflag:s11] =	ssyncset.done $0x0  }
0x5a: {  	[sflag:s11] =	ssyncadd.s32 $0xFFFFF800  }
0x5b: {  	_ =	swait.ge [sflag:s11], $0x800  }
0x5c: {  	[sflag:s11] =	ssyncset.done $0x0  }
0x5d: {  	[sflag:s11] =	ssyncadd.s32 $0xFFFFF800  }
0x5e: {  	_ =	swait.ge [sflag:s11], $0x800  }
0x5f: {  	[sflag:s11] =	ssyncset.done $0x0  }
0x60: {  	[sflag:s11] =	ssyncadd.s32 $0xFFFFF800  }
0x61: {  	_ =	swait.ge [sflag:s11], $0x800  }
0x62: {  	[sflag:s11] =	ssyncset.done $0x0  }
0x63: {  	[sflag:s11] =	ssyncadd.s32 $0xFFFFF800  }
0x64: {  	_ =	swait.ge [sflag:s11], $0x800  }
0x65: {  	v2 =	vor.u32 s0, v1;
	[sflag:s11] =	ssyncset.done $0x0  }
0x66: {  	v7 =	vshll.u32 v2, $0x4;
	[sflag:s11] =	ssyncadd.s32 $0xFFFFF800  }
0x67: {  	v5 =	vor.u32 $0x1, v7;
	_ =	swait.ge [sflag:s11], $0x800  }
0x68: {  	[sflag:s11] =	ssyncset.done $0x0  }
0x69: {  	s3 =	simm.s32 $0x1400;
	[sflag:s11] =	ssyncadd.s32 $0xFFFFF800  }
0x6a: {  	v10 =	vld [tilespmem:s3+$0xFFFFF800]  }
0x6b: {  	v6 =	vor.u32 $0x2, v7;
	v3 =	vld.idx.msk [tilespmem:v7+s29+$0x0], $0xffff  }
0x6c: {  	v4 =	vld.idx.msk [tilespmem:v5+s29+$0x0], $0xffff  }
0x6d: {  	v14 =	vor.u32 $0x4, v7;
	v8 =	vld.idx.msk [tilespmem:v5+s30+$0x0], $0xffff  }
0x6e: {  	v11 =	vld.idx.msk [tilespmem:v7+s30+$0x0], $0xffff  }
0x6f: {  	v12 =	vld [tilespmem:s3+$0xFFFFF200]  }
0x70: {  	v9 =	vor.u32 $0x3, v7;
	v20 =	vor.u32 $0x5, v7;
	v21 =	vor.u32 $0x6, v7;
	v16 =	vld.idx.msk [tilespmem:v6+s30+$0x0], $0xffff  }
0x71: {  	v22 =	vor.u32 $0x7, v7;
	v23 =	vor.u32 $0x8, v7;
	v24 =	vor.u32 $0x9, v7;
	v5 =	vld.idx.msk [tilespmem:v6+s29+$0x0], $0xffff  }
0x72: {  	v25 =	vor.u32 $0xA, v7;
	v27 =	vor.u32 $0xB, v7;
	v15 =	vor.u32 $0xC, v7;
	v28 =	vld.idx.msk [tilespmem:v14+s30+$0x0], $0xffff  }
0x73: {  	v19 =	vor.u32 $0xD, v7;
	v17 =	vor.u32 $0xE, v7;
	v18 =	vor.u32 $0xF, v7;
	v7 =	vld.idx.msk [tilespmem:v14+s29+$0x0], $0xffff  }
0x74: {  	v13 =	vld [tilespmem:s3+$0xFFFFF000]  }
0x75: {  	v26 =	vld [tilespmem:s3+$0xFFFFF400]  }
0x76: {  	v52 =	vld [tilespmem:$0xA410]  }
0x77: {  	v30 =	vld.idx.msk [tilespmem:v20+s30+$0x0], $0xffff;
	v6 =	vadd.f32 v8, v4;
	v11 =	vadd.f32 v11, v3  }
0x78: {  	v8 =	vld.idx.msk [tilespmem:v9+s30+$0x0], $0xffff;
	v16 =	vadd.f32 v16, v5;
	v28 =	vadd.f32 v28, v7  }
0x79: {  	v12 =	vadd.f32 v12, v6;
	v6 =	vld.idx.msk [tilespmem:v9+s29+$0x0], $0xffff;
	v9 =	vadd.f32 v13, v11  }
0x7a: {  	v54 =	vld [tilespmem:$0xA430];
	v55 =	vadd.f32 v10, v28  }
0x7b: {  	v56 =	vld [tilespmem:s3+$0xFFFFFC00];
	v14 =	vadd.f32 v26, v16;
	v13 =	vmul.f32 $2.000000030e-01, v12;
	v29 =	vmul.f32 $2.000000030e-01, v9  }
0x7c: {  	v58 =	vld [tilespmem:$0xA420];
	vm0 =	vge.f32 v12, $0.0e+00;
	vm1 =	vge.f32 v9, $0.0e+00;
	v32 =	vmul.f32 $2.000000030e-01, v55  }
0x7d: {  	vm4 =	vge.f32 v55, $0.0e+00;
	v12 =	vsel vm0, v12, v13;
	v13 =	vld [tilespmem:s3+$0xFFFFF600];
	v9 =	vsel vm1, v9, v29  }
0x7e: {  	v11 =	vld [tilespmem:$0xA400];
	v16 =	vshrl.u32 v12, $0x10;
	v53 =	vadd.f32 v8, v6;
	v8 =	vshrl.u32 v9, $0x10  }
0x7f: {  	v59 =	vld [tilespmem:s3+$0xFFFFFA00];
	v60 =	vsel vm4, v55, v32;
	v16 =	vand.u32 $0x1, v16;
	v31 =	vand.u32 $0x1, v8  }
0x80: {  	v61 =	vld [tilespmem:$0xA440];
	v12 =	vadd.s32 v16, v12;
	v16 =	vmul.f32 $2.000000030e-01, v14;
	v9 =	vadd.s32 v31, v9  }
0x81: {  	vm14 =	vge.f32 v14, $0.0e+00;
	v34 =	vshrl.u32 v60, $0x10;
	v8 =	vld.idx.msk [tilespmem:v20+s29+$0x0], $0xffff;
	v31 =	vadd.s32 $0x7FFF, v9  }
0x82: {  	v20 =	vld.idx.msk [tilespmem:v21+s30+$0x0], $0xffff;
	v14 =	vsel vm14, v14, v16;
	v16 =	vand.u32 $0xFFFF0000, v31;
	v13 =	vadd.f32 v13, v53  }
0x83: {  	v12 =	vadd.s32 $0x7FFF, v12;
	v9 =	vld.idx.msk [tilespmem:v21+s29+$0x0], $0xffff;
	v11 =	vmul.f32 v16, v11;
	v16 =	vshrl.u32 v14, $0x10  }
0x84: {  	v63 =	vld.idx.msk [tilespmem:v23+s30+$0x0], $0xffff;
	v12 =	vand.u32 $0xFFFF0000, v12;
	v10 =	vand.u32 $0x1, v16;
	v16 =	vmul.f32 $2.000000030e-01, v13  }
0x85: {  	v38 =	vld [tilespmem:s3+$0x0];
	v12 =	vmul.f32 v12, v52;
	vm15 =	vge.f32 v13, $0.0e+00;
	v11 =	vadd.f32 $0.0e+00, v11  }
0x86: {  	v39 =	vld.idx.msk [tilespmem:v24+s30+$0x0], $0xffff;
	v35 =	vand.u32 $0x1, v34;
	v13 =	vsel vm15, v13, v16  }
0x87: {  	v14 =	vadd.s32 v10, v14;
	v10 =	vld.idx.msk [tilespmem:v22+s29+$0x0], $0xffff;
	v12 =	vadd.f32 v12, v11;
	v11 =	vshrl.u32 v13, $0x10  }
0x88: {  	v16 =	vadd.f32 v20, v9;
	v20 =	vld.idx.msk [tilespmem:v22+s30+$0x0], $0xffff;
	v14 =	vadd.s32 $0x7FFF, v14;
	v11 =	vand.u32 $0x1, v11  }
0x89: {  	v43 =	vld [tilespmem:$0xA460];
	v57 =	vadd.f32 v30, v8;
	v14 =	vand.u32 $0xFFFF0000, v14;
	v11 =	vadd.s32 v11, v13  }
0x8a: {  	v14 =	vmul.f32 v14, v58;
	v13 =	vadd.f32 v56, v16;
	v16 =	vld [tilespmem:s3+$0xFFFFFE00];
	v11 =	vadd.s32 $0x7FFF, v11  }
0x8b: {  	v45 =	vld.idx.msk [tilespmem:v25+s30+$0x0], $0xffff;
	v21 =	vadd.s32 v35, v60;
	v62 =	vadd.f32 v59, v57;
	v33 =	vand.u32 $0xFFFF0000, v11  }
0x8c: {  	v12 =	vadd.f32 v14, v12;
	v11 =	vld.idx.msk [tilespmem:v23+s29+$0x0], $0xffff;
	v37 =	vmul.f32 $2.000000030e-01, v13;
	v14 =	vmul.f32 v33, v54  }
0x8d: {  	v50 =	vld [tilespmem:s3+$0x800];
	v41 =	vmul.f32 $2.000000030e-01, v62;
	v20 =	vadd.f32 v20, v10;
	vm5 =	vge.f32 v13, $0.0e+00  }
0x8e: {  	v55 =	vld.idx.msk [tilespmem:v15+s30+$0x0], $0xffff;
	v13 =	vsel vm5, v13, v37;
	v14 =	vadd.f32 v14, v12;
	v12 =	vadd.s32 $0x7FFF, v21  }
0x8f: {  	v15 =	vld.idx.msk [tilespmem:v15+s29+$0x0], $0xffff;
	v16 =	vadd.f32 v16, v20;
	v42 =	vshrl.u32 v13, $0x10;
	v40 =	vand.u32 $0xFFFF0000, v12  }
0x90: {  	vm6 =	vge.f32 v62, $0.0e+00;
	v12 =	vld.idx.msk [tilespmem:v24+s29+$0x0], $0xffff;
	v24 =	vand.u32 $0x1, v42;
	v20 =	vmul.f32 v40, v61  }
0x91: {  	v44 =	vmul.f32 $2.000000030e-01, v16;
	v29 =	vadd.f32 v63, v11;
	v46 =	vadd.s32 v24, v13;
	v13 =	vld.idx.msk [tilespmem:v25+s29+$0x0], $0xffff  }
0x92: {  	vm7 =	vge.f32 v16, $0.0e+00;
	v63 =	vld.idx.msk [tilespmem:v17+s30+$0x0], $0xffff;
	v22 =	vadd.s32 $0x7FFF, v46;
	v20 =	vadd.f32 v20, v14  }
0x93: {  	v17 =	vld.idx.msk [tilespmem:v17+s29+$0x0], $0xffff;
	v14 =	vsel vm6, v62, v41;
	v16 =	vsel vm7, v16, v44;
	v22 =	vand.u32 $0xFFFF0000, v22  }
0x94: {  	v36 =	vld [tilespmem:s3+$0x200];
	v29 =	vadd.f32 v38, v29;
	v62 =	vadd.f32 v55, v15;
	v47 =	vshrl.u32 v14, $0x10  }
0x95: {  	v49 =	vld [tilespmem:$0xA450];
	v31 =	vshrl.u32 v16, $0x10;
	v22 =	vmul.f32 v22, v43;
	v24 =	vand.u32 $0x1, v47  }
0x96: {  	v52 =	vld [tilespmem:s3+$0x400];
	v21 =	vadd.f32 v39, v12;
	v31 =	vand.u32 $0x1, v31;
	v51 =	vmul.f32 $2.000000030e-01, v29  }
0x97: {  	v46 =	vld [tilespmem:s3+$0xC00];
	vm8 =	vge.f32 v29, $0.0e+00;
	v35 =	vadd.f32 v50, v62;
	v24 =	vadd.s32 v24, v14  }
0x98: {  	v48 =	vld [tilespmem:$0xA470];
	v16 =	vadd.s32 v31, v16;
	v56 =	vadd.f32 v45, v13;
	v50 =	vadd.f32 v63, v17  }
0x99: {  	v24 =	vadd.s32 $0x7FFF, v24;
	v21 =	vadd.f32 v36, v21;
	v16 =	vadd.s32 $0x7FFF, v16  }
0x9a: {  	v33 =	vld.idx.msk [tilespmem:v27+s30+$0x0], $0xffff;
	v26 =	vsel vm8, v29, v51;
	vm12 =	vge.f32 v35, $0.0e+00;
	v39 =	vmul.f32 $2.000000030e-01, v35  }
0x9b: {  	v14 =	vld.idx.msk [tilespmem:v27+s29+$0x0], $0xffff;
	v24 =	vand.u32 $0xFFFF0000, v24;
	v16 =	vand.u32 $0xFFFF0000, v16;
	v27 =	vadd.f32 v52, v56  }
0x9c: {  	v53 =	vld [tilespmem:$0xA480];
	v52 =	vadd.f32 v46, v50;
	v54 =	vmul.f32 $2.000000030e-01, v21;
	v24 =	vmul.f32 v24, v49  }
0x9d: {  	v57 =	vld [tilespmem:s3+$0x600];
	v25 =	vmul.f32 v16, v48;
	v16 =	vshrl.u32 v26, $0x10;
	vm9 =	vge.f32 v21, $0.0e+00  }
0x9e: {  	v42 =	vld.idx.msk [tilespmem:v18+s30+$0x0], $0xffff;
	v16 =	vand.u32 $0x1, v16;
	vm10 =	vge.f32 v27, $0.0e+00;
	v29 =	vmul.f32 $2.000000030e-01, v27  }
0x9f: {  	v18 =	vld.idx.msk [tilespmem:v18+s29+$0x0], $0xffff;
	vm14 =	vge.f32 v52, $0.0e+00;
	v21 =	vsel vm9, v21, v54;
	v20 =	vadd.f32 v24, v20  }
0xa0: {  	v16 =	vadd.s32 v16, v26;
	v61 =	vadd.f32 v33, v14;
	v58 =	vshrl.u32 v21, $0x10  }
0xa1: {  	v16 =	vadd.s32 $0x7FFF, v16;
	v37 =	vsel vm10, v27, v29;
	v27 =	vmul.f32 $2.000000030e-01, v52  }
0xa2: {  	v59 =	vld [tilespmem:$0xA490];
	v26 =	vand.u32 $0x1, v58;
	v20 =	vadd.f32 v22, v20;
	v60 =	vand.u32 $0xFFFF0000, v16  }
0xa3: {  	v16 =	vld.idx.msk [tilespmem:v19+s29+$0x0], $0xffff;
	v24 =	vadd.f32 v57, v61;
	v29 =	vshrl.u32 v37, $0x10;
	v21 =	vadd.s32 v26, v21  }
0xa4: {  	v19 =	vld.idx.msk [tilespmem:v19+s30+$0x0], $0xffff;
	v22 =	vmul.f32 v60, v53;
	v29 =	vand.u32 $0x1, v29;
	v53 =	vadd.f32 v42, v18  }
0xa5: {  	v48 =	vld [tilespmem:s3+$0xE00];
	v55 =	vsel vm14, v52, v27;
	v21 =	vadd.s32 $0x7FFF, v21;
	v20 =	vadd.f32 v25, v20  }
0xa6: {  	v36 =	vld [tilespmem:s3+$0xA00];
	v26 =	vmul.f32 $2.000000030e-01, v24;
	vm11 =	vge.f32 v24, $0.0e+00;
	v25 =	vadd.s32 v29, v37  }
0xa7: {  	v38 =	vld [tilespmem:$0xA4A0];
	v57 =	vshrl.u32 v55, $0x10;
	v21 =	vand.u32 $0xFFFF0000, v21;
	v25 =	vadd.s32 $0x7FFF, v25  }
0xa8: {  	v21 =	vmul.f32 v21, v59;
	v20 =	vadd.f32 v22, v20;
	v24 =	vsel vm11, v24, v26  }
0xa9: {  	v22 =	vsel vm12, v35, v39;
	v25 =	vand.u32 $0xFFFF0000, v25;
	v19 =	vadd.f32 v19, v16  }
0xaa: {  	v26 =	vadd.f32 v48, v53;
	v41 =	vshrl.u32 v24, $0x10;
	v45 =	vshrl.u32 v22, $0x10  }
0xab: {  	v20 =	vadd.f32 v21, v20;
	v43 =	vand.u32 $0x1, v41;
	v19 =	vadd.f32 v36, v19  }
0xac: {  	v40 =	vld [tilespmem:$0xA4B0];
	v21 =	vmul.f32 v25, v38;
	v56 =	vmul.f32 $2.000000030e-01, v26;
	vm15 =	vge.f32 v26, $0.0e+00  }
0xad: {  	v49 =	vld [tilespmem:$0xA4C0];
	v44 =	vadd.s32 v43, v24;
	v24 =	vand.u32 $0x1, v45;
	v47 =	vmul.f32 $2.000000030e-01, v19  }
0xae: {  	v23 =	vadd.s32 $0x7FFF, v44;
	v22 =	vadd.s32 v24, v22;
	vm13 =	vge.f32 v19, $0.0e+00  }
0xaf: {  	v20 =	vadd.f32 v21, v20;
	v25 =	vsel vm15, v26, v56;
	v19 =	vsel vm13, v19, v47  }
0xb0: {  	v54 =	vld [tilespmem:$0xA4D0];
	v23 =	vand.u32 $0xFFFF0000, v23;
	v22 =	vadd.s32 $0x7FFF, v22;
	v51 =	vshrl.u32 v19, $0x10  }
0xb1: {  	v23 =	vmul.f32 v23, v40;
	v22 =	vand.u32 $0xFFFF0000, v22;
	v24 =	vand.u32 $0x1, v51  }
0xb2: {  	v58 =	vld [tilespmem:$0xA4E0];
	v60 =	vshrl.u32 v25, $0x10;
	v22 =	vmul.f32 v22, v49;
	v19 =	vadd.s32 v24, v19  }
0xb3: {  	v20 =	vadd.f32 v23, v20;
	v23 =	vand.u32 $0x1, v57;
	v19 =	vadd.s32 $0x7FFF, v19  }
0xb4: {  	v59 =	vld [tilespmem:$0xA4F0];
	v62 =	vand.u32 $0x1, v60;
	v23 =	vadd.s32 v23, v55;
	v19 =	vand.u32 $0xFFFF0000, v19  }
0xb5: {  	v20 =	vadd.f32 v22, v20;
	v61 =	vadd.s32 $0x7FFF, v23;
	v19 =	vmul.f32 v19, v54  }
0xb6: {  	v23 =	vadd.s32 v62, v25;
	v22 =	vand.u32 $0xFFFF0000, v61  }
0xb7: {  	v63 =	vadd.s32 $0x7FFF, v23;
	v19 =	vadd.f32 v19, v20;
	v20 =	vmul.f32 v22, v58  }
0xb8: {  	v22 =	vand.u32 $0xFFFF0000, v63  }
0xb9: {  	v19 =	vadd.f32 v20, v19;
	v20 =	vmul.f32 v22, v59;
	_ =	sdelay $0x1  }
0xba: {  	v19 =	vadd.f32 v20, v19;
	_ =	sdelay $0x1  }
0xbb: {  	s9 =	simm.s32 $0x1;
	s16 =	simm.s32 $0x0;
	s15 =	simm.s32 $0x0;
	v19 =	vmul.f32 $1.442695020e+00, v19  }
.LBB2_5:
0xbc: {  	_ = 	snop  }
0xbd: {  	p0 =	sne.s32 s9, $0x1F;
	s16 =	sadd.s32 $0x10, s16;
	s3 =	sadd.s32 $0x10, s3;
	(erf) = vpow2.f32 v19  }
0xbe: {  	s2 =	smov.u32 s9;
	s9 =	sadd.s32 $0x1, s9;
	_ =	sdelay $0x2  }
0xbf: {  	s21 =	sshrl.u32 s15, $0x3;
	s15 =	smov.u32 s2  }
0xc0: {  	s2 =	sor.u32 s19, s21  }
0xc1: {  	p1 =	slt.u32 s2, $0x1388;
	s2 =	simm.f32 $1.000000000e+00  }
0xc2: {  	v2 =	vshll.u32 v2, $0x5;
	s2 =	simm.s32 @!p1 $0x0  }
0xc3: {  	v19 =	vor.u32 $0x1, v2  }
0xc4: {  	v20 =	vor.u32 $0x2, v2;
	v21 =	vpop (erf)  }
0xc5: {  	v22 =	vor.u32 $0x3, v2;
	v21 =	vmul.f32 s2, v21  }
0xc6: {  	v23 =	vor.u32 $0x4, v2  }
0xc7: {  	v24 =	vor.u32 $0x5, v2;
	v3 =	vmul.f32 v21, v3;
	v5 =	vmul.f32 v21, v5  }
0xc8: {  	v25 =	vor.u32 $0x6, v2;
	v4 =	vmul.f32 v21, v4;
	v6 =	vmul.f32 v21, v6  }
0xc9: {  	[tilespmem:v2+s18+$0x0] =	vst.idx.msk $0xffff, v3;
	v3 =	vmul.f32 v21, v7;
	v7 =	vmul.f32 v21, v8;
	v8 =	vor.u32 $0x7, v2  }
0xca: {  	[tilespmem:v19+s18+$0x0] =	vst.idx.msk $0xffff, v4;
	v4 =	vmul.f32 v21, v9;
	v9 =	vmul.f32 v21, v10;
	v10 =	vor.u32 $0x8, v2  }
0xcb: {  	[tilespmem:v20+s18+$0x0] =	vst.idx.msk $0xffff, v5;
	v5 =	vmul.f32 v21, v11;
	v11 =	vmul.f32 v21, v12;
	v12 =	vor.u32 $0x9, v2  }
0xcc: {  	v14 =	vmul.f32 v21, v14;
	[tilespmem:v22+s18+$0x0] =	vst.idx.msk $0xffff, v6;
	v6 =	vmul.f32 v21, v13;
	v13 =	vor.u32 $0xA, v2  }
0xcd: {  	v15 =	vmul.f32 v21, v15;
	v16 =	vmul.f32 v21, v16;
	[tilespmem:v23+s18+$0x0] =	vst.idx.msk $0xffff, v3;
	v3 =	vor.u32 $0xB, v2  }
0xce: {  	v17 =	vmul.f32 v21, v17;
	v18 =	vmul.f32 v21, v18;
	[tilespmem:v24+s18+$0x0] =	vst.idx.msk $0xffff, v7;
	v7 =	vor.u32 $0xC, v2  }
0xcf: {  	[tilespmem:v25+s18+$0x0] =	vst.idx.msk $0xffff, v4;
	v4 =	vor.u32 $0xD, v2  }
0xd0: {  	[tilespmem:v8+s18+$0x0] =	vst.idx.msk $0xffff, v9;
	v8 =	vor.u32 $0xE, v2  }
0xd1: {  	[tilespmem:v10+s18+$0x0] =	vst.idx.msk $0xffff, v5;
	v5 =	vor.u32 $0xF, v2  }
0xd2: {  	v9 =	vor.u32 $0x10, v2;
	[tilespmem:v12+s18+$0x0] =	vst.idx.msk $0xffff, v11  }
0xd3: {  	[tilespmem:v13+s18+$0x0] =	vst.idx.msk $0xffff, v6  }
0xd4: {  	[tilespmem:v3+s18+$0x0] =	vst.idx.msk $0xffff, v14  }
0xd5: {  	[tilespmem:v7+s18+$0x0] =	vst.idx.msk $0xffff, v15  }
0xd6: {  	v2 =	vor.u32 s16, v1;
	[tilespmem:v4+s18+$0x0] =	vst.idx.msk $0xffff, v16  }
0xd7: {  	v6 =	vshll.u32 v2, $0x4;
	[tilespmem:v8+s18+$0x0] =	vst.idx.msk $0xffff, v17  }
0xd8: {  	v10 =	vor.u32 $0x3, v6;
	v7 =	vor.u32 $0x1, v6;
	v8 =	vor.u32 $0x2, v6;
	[tilespmem:v5+s18+$0x0] =	vst.idx.msk $0xffff, v18  }
0xd9: {  	v11 =	vor.u32 $0x4, v6;
	v20 =	vor.u32 $0x6, v6;
	v16 =	vor.u32 $0x5, v6;
	[tilespmem:v9+s18+$0x0] =	vst.idx.msk $0xffff, v21  }
0xda: {  	v22 =	vor.u32 $0x7, v6;
	v23 =	vor.u32 $0x8, v6;
	v12 =	vor.u32 $0x9, v6;
	v21 =	vld [tilespmem:s3+$0xFFFFF800]  }
0xdb: {  	v13 =	vor.u32 $0xA, v6;
	v14 =	vor.u32 $0xB, v6;
	v15 =	vor.u32 $0xC, v6;
	v9 =	vld [tilespmem:s3+$0xFFFFF000]  }
0xdc: {  	v19 =	vor.u32 $0xD, v6;
	v17 =	vor.u32 $0xE, v6;
	v18 =	vor.u32 $0xF, v6;
	v3 =	vld.idx.msk [tilespmem:v6+s29+$0x0], $0xffff  }
0xdd: {  	v4 =	vld.idx.msk [tilespmem:v7+s29+$0x0], $0xffff  }
0xde: {  	v7 =	vld.idx.msk [tilespmem:v7+s30+$0x0], $0xffff  }
0xdf: {  	v24 =	vld.idx.msk [tilespmem:v6+s30+$0x0], $0xffff  }
0xe0: {  	v25 =	vld [tilespmem:s3+$0xFFFFF200]  }
0xe1: {  	v26 =	vld.idx.msk [tilespmem:v8+s30+$0x0], $0xffff  }
0xe2: {  	v5 =	vld.idx.msk [tilespmem:v8+s29+$0x0], $0xffff  }
0xe3: {  	v8 =	vld.idx.msk [tilespmem:v10+s30+$0x0], $0xffff  }
0xe4: {  	v7 =	vadd.f32 v7, v4;
	v6 =	vld.idx.msk [tilespmem:v10+s29+$0x0], $0xffff  }
0xe5: {  	v10 =	vadd.f32 v24, v3;
	v24 =	vld [tilespmem:s3+$0xFFFFF400]  }
0xe6: {  	v25 =	vadd.f32 v25, v7;
	v27 =	vld [tilespmem:$0xA400]  }
0xe7: {  	v9 =	vadd.f32 v9, v10;
	v10 =	vld.idx.msk [tilespmem:v11+s30+$0x0], $0xffff  }
0xe8: {  	v28 =	vmul.f32 $2.000000030e-01, v25;
	v26 =	vadd.f32 v26, v5;
	v7 =	vld.idx.msk [tilespmem:v11+s29+$0x0], $0xffff  }
0xe9: {  	vm1 =	vge.f32 v25, $0.0e+00;
	vm0 =	vge.f32 v9, $0.0e+00;
	v11 =	vmul.f32 $2.000000030e-01, v9;
	v29 =	vld [tilespmem:s3+$0xFFFFF600]  }
0xea: {  	v25 =	vsel vm1, v25, v28;
	v28 =	vld [tilespmem:$0xA410];
	v24 =	vadd.f32 v24, v26;
	v26 =	vadd.f32 v8, v6  }
0xeb: {  	v9 =	vsel vm0, v9, v11;
	v8 =	vshrl.u32 v25, $0x10;
	v11 =	vld.idx.msk [tilespmem:v16+s30+$0x0], $0xffff  }
0xec: {  	v30 =	vshrl.u32 v9, $0x10;
	v31 =	vand.u32 $0x1, v8;
	vm0 =	vge.f32 v24, $0.0e+00;
	v8 =	vld.idx.msk [tilespmem:v16+s29+$0x0], $0xffff  }
0xed: {  	v16 =	vand.u32 $0x1, v30;
	v25 =	vadd.s32 v31, v25;
	v30 =	vmul.f32 $2.000000030e-01, v24;
	v31 =	vld.idx.msk [tilespmem:v20+s30+$0x0], $0xffff  }
0xee: {  	v16 =	vadd.s32 v16, v9;
	v25 =	vadd.s32 $0x7FFF, v25;
	v10 =	vadd.f32 v10, v7;
	v9 =	vld.idx.msk [tilespmem:v20+s29+$0x0], $0xffff  }
0xef: {  	v16 =	vadd.s32 $0x7FFF, v16;
	v20 =	vand.u32 $0xFFFF0000, v25;
	v24 =	vsel vm0, v24, v30  }
0xf0: {  	v25 =	vadd.f32 v29, v26;
	v16 =	vand.u32 $0xFFFF0000, v16;
	v20 =	vmul.f32 v20, v28;
	v26 =	vld [tilespmem:$0xA430]  }
0xf1: {  	v21 =	vadd.f32 v21, v10;
	v16 =	vmul.f32 v16, v27;
	v27 =	vshrl.u32 v24, $0x10;
	v28 =	vld [tilespmem:s3+$0xFFFFFA00]  }
0xf2: {  	v10 =	vand.u32 $0x1, v27;
	v27 =	vmul.f32 $2.000000030e-01, v25;
	v11 =	vadd.f32 v11, v8;
	v29 =	vld [tilespmem:s3+$0xFFFFFC00]  }
0xf3: {  	vm0 =	vge.f32 v25, $0.0e+00;
	v32 =	vmul.f32 $2.000000030e-01, v21;
	v16 =	vadd.f32 $0.0e+00, v16;
	v30 =	vld [tilespmem:$0xA420]  }
0xf4: {  	v24 =	vadd.s32 v10, v24;
	v25 =	vsel vm0, v25, v27;
	v27 =	vadd.f32 v31, v9;
	v31 =	vld.idx.msk [tilespmem:v22+s30+$0x0], $0xffff  }
0xf5: {  	vm0 =	vge.f32 v21, $0.0e+00;
	v16 =	vadd.f32 v20, v16;
	v20 =	vshrl.u32 v25, $0x10;
	v10 =	vld.idx.msk [tilespmem:v22+s29+$0x0], $0xffff  }
0xf6: {  	v21 =	vsel vm0, v21, v32;
	v22 =	vadd.s32 $0x7FFF, v24;
	v20 =	vand.u32 $0x1, v20;
	v24 =	vld [tilespmem:$0xA440]  }
0xf7: {  	v22 =	vand.u32 $0xFFFF0000, v22;
	v20 =	vadd.s32 v20, v25;
	v25 =	vadd.f32 v29, v27;
	v27 =	vld [tilespmem:s3+$0xFFFFFE00]  }
0xf8: {  	v28 =	vadd.f32 v28, v11;
	v20 =	vadd.s32 $0x7FFF, v20;
	v22 =	vmul.f32 v22, v30;
	v29 =	vld.idx.msk [tilespmem:v23+s30+$0x0], $0xffff  }
0xf9: {  	v20 =	vand.u32 $0xFFFF0000, v20;
	v30 =	vshrl.u32 v21, $0x10;
	vm0 =	vge.f32 v25, $0.0e+00;
	v11 =	vld.idx.msk [tilespmem:v23+s29+$0x0], $0xffff  }
0xfa: {  	v20 =	vmul.f32 v20, v26;
	v16 =	vadd.f32 v22, v16;
	v22 =	vand.u32 $0x1, v30;
	v23 =	vld [tilespmem:s3+$0x200]  }
0xfb: {  	v26 =	vadd.f32 v31, v10;
	v21 =	vadd.s32 v22, v21;
	v22 =	vmul.f32 $2.000000030e-01, v25;
	v30 =	vld [tilespmem:s3+$0x0]  }
0xfc: {  	vm1 =	vge.f32 v28, $0.0e+00;
	v16 =	vadd.f32 v20, v16;
	v20 =	vadd.s32 $0x7FFF, v21;
	v21 =	vld.idx.msk [tilespmem:v12+s30+$0x0], $0xffff  }
0xfd: {  	v20 =	vand.u32 $0xFFFF0000, v20;
	v22 =	vsel vm0, v25, v22;
	v25 =	vadd.f32 v27, v26;
	v12 =	vld.idx.msk [tilespmem:v12+s29+$0x0], $0xffff  }
0xfe: {  	v20 =	vmul.f32 v20, v24;
	v24 =	vmul.f32 $2.000000030e-01, v28;
	v26 =	vshrl.u32 v22, $0x10;
	v27 =	vld [tilespmem:$0xA460]  }
0xff: {  	v29 =	vadd.f32 v29, v11;
	v26 =	vand.u32 $0x1, v26;
	v31 =	vmul.f32 $2.000000030e-01, v25;
	v32 =	vld.idx.msk [tilespmem:v13+s30+$0x0], $0xffff  }
0x100: {  	v16 =	vadd.f32 v20, v16;
	v20 =	vsel vm1, v28, v24;
	v22 =	vadd.s32 v26, v22;
	v13 =	vld.idx.msk [tilespmem:v13+s29+$0x0], $0xffff  }
0x101: {  	vm0 =	vge.f32 v25, $0.0e+00;
	v24 =	vshrl.u32 v20, $0x10;
	v22 =	vadd.s32 $0x7FFF, v22;
	v26 =	vld [tilespmem:$0xA470]  }
0x102: {  	v25 =	vsel vm0, v25, v31;
	v24 =	vand.u32 $0x1, v24;
	v28 =	vld [tilespmem:$0xA450];
	v22 =	vand.u32 $0xFFFF0000, v22  }
0x103: {  	v21 =	vadd.f32 v21, v12;
	v22 =	vmul.f32 v22, v27;
	v27 =	vshrl.u32 v25, $0x10;
	v31 =	vld.idx.msk [tilespmem:v14+s30+$0x0], $0xffff  }
0x104: {  	v20 =	vadd.s32 v24, v20;
	v24 =	vand.u32 $0x1, v27;
	v27 =	vadd.f32 v30, v29;
	v14 =	vld.idx.msk [tilespmem:v14+s29+$0x0], $0xffff  }
0x105: {  	v20 =	vadd.s32 $0x7FFF, v20;
	v21 =	vadd.f32 v23, v21;
	v24 =	vadd.s32 v24, v25;
	v23 =	vld [tilespmem:s3+$0x800]  }
0x106: {  	v20 =	vand.u32 $0xFFFF0000, v20;
	v24 =	vadd.s32 $0x7FFF, v24;
	v25 =	vmul.f32 $2.000000030e-01, v27;
	v29 =	vld [tilespmem:s3+$0x400]  }
0x107: {  	vm0 =	vge.f32 v27, $0.0e+00;
	v33 =	vmul.f32 $2.000000030e-01, v21;
	v24 =	vand.u32 $0xFFFF0000, v24;
	v30 =	vld [tilespmem:$0xA480]  }
0x108: {  	v20 =	vmul.f32 v20, v28;
	v24 =	vmul.f32 v24, v26;
	v25 =	vsel vm0, v27, v25;
	v26 =	vld.idx.msk [tilespmem:v15+s30+$0x0], $0xffff  }
0x109: {  	v28 =	vadd.f32 v32, v13;
	vm0 =	vge.f32 v21, $0.0e+00;
	v27 =	vshrl.u32 v25, $0x10;
	v15 =	vld.idx.msk [tilespmem:v15+s29+$0x0], $0xffff  }
0x10a: {  	v16 =	vadd.f32 v20, v16;
	v21 =	vsel vm0, v21, v33;
	v20 =	vand.u32 $0x1, v27;
	v27 =	vld [tilespmem:s3+$0x600]  }
0x10b: {  	v20 =	vadd.s32 v20, v25;
	v25 =	vshrl.u32 v21, $0x10;
	v32 =	vld [tilespmem:$0xA490];
	v28 =	vadd.f32 v29, v28  }
0x10c: {  	v22 =	vadd.f32 v22, v16;
	v20 =	vadd.s32 $0x7FFF, v20;
	v25 =	vand.u32 $0x1, v25;
	v16 =	vld.idx.msk [tilespmem:v19+s29+$0x0], $0xffff  }
0x10d: {  	v20 =	vand.u32 $0xFFFF0000, v20;
	v21 =	vadd.s32 v25, v21;
	v25 =	vadd.f32 v31, v14  }
0x10e: {  	vm0 =	vge.f32 v28, $0.0e+00;
	v20 =	vmul.f32 v20, v30;
	v21 =	vadd.s32 $0x7FFF, v21;
	v19 =	vld.idx.msk [tilespmem:v19+s30+$0x0], $0xffff  }
0x10f: {  	v22 =	vadd.f32 v24, v22;
	v24 =	vadd.f32 v26, v15;
	v21 =	vand.u32 $0xFFFF0000, v21;
	v26 =	vld.idx.msk [tilespmem:v17+s30+$0x0], $0xffff  }
0x110: {  	v29 =	vmul.f32 $2.000000030e-01, v28;
	v25 =	vadd.f32 v27, v25;
	v21 =	vmul.f32 v21, v32;
	v17 =	vld.idx.msk [tilespmem:v17+s29+$0x0], $0xffff  }
0x111: {  	v20 =	vadd.f32 v20, v22;
	v22 =	vadd.f32 v23, v24;
	v23 =	vld [tilespmem:s3+$0xA00]  }
0x112: {  	v24 =	vsel vm0, v28, v29;
	vm0 =	vge.f32 v25, $0.0e+00;
	v27 =	vmul.f32 $2.000000030e-01, v25  }
0x113: {  	v20 =	vadd.f32 v21, v20;
	vm1 =	vge.f32 v22, $0.0e+00;
	v28 =	vmul.f32 $2.000000030e-01, v22;
	v21 =	vld [tilespmem:$0xA4A0]  }
0x114: {  	v29 =	vshrl.u32 v24, $0x10;
	v25 =	vsel vm0, v25, v27;
	v19 =	vadd.f32 v19, v16;
	v27 =	vld [tilespmem:$0xA4B0]  }
0x115: {  	v29 =	vand.u32 $0x1, v29;
	v30 =	vshrl.u32 v25, $0x10;
	v22 =	vsel vm1, v22, v28;
	v28 =	vld.idx.msk [tilespmem:v18+s30+$0x0], $0xffff  }
0x116: {  	v24 =	vadd.s32 v29, v24;
	v29 =	vand.u32 $0x1, v30;
	v19 =	vadd.f32 v23, v19;
	v18 =	vld.idx.msk [tilespmem:v18+s29+$0x0], $0xffff  }
0x117: {  	v23 =	vadd.s32 $0x7FFF, v24;
	v24 =	vadd.s32 v29, v25;
	v25 =	vshrl.u32 v22, $0x10;
	v29 =	vld [tilespmem:s3+$0xC00]  }
0x118: {  	v24 =	vadd.s32 $0x7FFF, v24;
	v25 =	vand.u32 $0x1, v25;
	v30 =	vmul.f32 $2.000000030e-01, v19;
	v31 =	vld [tilespmem:s3+$0xE00]  }
0x119: {  	v23 =	vand.u32 $0xFFFF0000, v23;
	v24 =	vand.u32 $0xFFFF0000, v24;
	vm0 =	vge.f32 v19, $0.0e+00;
	v32 =	vld [tilespmem:$0xA4C0]  }
0x11a: {  	v26 =	vadd.f32 v26, v17;
	v24 =	vmul.f32 v24, v27;
	v19 =	vsel vm0, v19, v30  }
0x11b: {  	v21 =	vmul.f32 v23, v21;
	v22 =	vadd.s32 v25, v22;
	v23 =	vshrl.u32 v19, $0x10;
	v25 =	vld [tilespmem:$0xA4D0]  }
0x11c: {  	v22 =	vadd.s32 $0x7FFF, v22;
	v23 =	vand.u32 $0x1, v23;
	v26 =	vadd.f32 v29, v26  }
0x11d: {  	v20 =	vadd.f32 v21, v20;
	v21 =	vand.u32 $0xFFFF0000, v22;
	v19 =	vadd.s32 v23, v19  }
0x11e: {  	v22 =	vadd.f32 v28, v18;
	v21 =	vmul.f32 v21, v32;
	v19 =	vadd.s32 $0x7FFF, v19  }
0x11f: {  	v20 =	vadd.f32 v24, v20;
	vm0 =	vge.f32 v26, $0.0e+00;
	v19 =	vand.u32 $0xFFFF0000, v19  }
0x120: {  	v22 =	vadd.f32 v31, v22;
	v23 =	vmul.f32 $2.000000030e-01, v26;
	v19 =	vmul.f32 v19, v25  }
0x121: {  	v20 =	vadd.f32 v21, v20  }
0x122: {  	v21 =	vsel vm0, v26, v23;
	vm0 =	vge.f32 v22, $0.0e+00;
	v23 =	vmul.f32 $2.000000030e-01, v22;
	v24 =	vld [tilespmem:$0xA4F0]  }
0x123: {  	v19 =	vadd.f32 v19, v20;
	v20 =	vshrl.u32 v21, $0x10;
	v25 =	vld [tilespmem:$0xA4E0]  }
0x124: {  	v22 =	vsel vm0, v22, v23;
	v20 =	vand.u32 $0x1, v20  }
0x125: {  	v20 =	vadd.s32 v20, v21;
	v21 =	vshrl.u32 v22, $0x10  }
0x126: {  	v20 =	vadd.s32 $0x7FFF, v20;
	v21 =	vand.u32 $0x1, v21  }
0x127: {  	v20 =	vand.u32 $0xFFFF0000, v20;
	v21 =	vadd.s32 v21, v22  }
0x128: {  	v21 =	vadd.s32 $0x7FFF, v21;
	v20 =	vmul.f32 v20, v25  }
0x129: {  	v21 =	vand.u32 $0xFFFF0000, v21  }
.Ltmp1:
0x12a: {  	v19 =	vadd.f32 v20, v19;
	v20 =	vmul.f32 v21, v24;
	(pc) =	sbr.rel @p0 .LBB2_5-.Ltmp1, $3  }
0x12b: {  	_ = 	snop  }
0x12c: {  	v19 =	vadd.f32 v20, v19;
	_ =	sdelay $0x1  }
0x12d: {  	v19 =	vmul.f32 $1.442695020e+00, v19  }
0x12e: {  	_ = 	snop  }
0x12f: {  	(erf) = vpow2.f32 v19;
	_ =	sdelay $0x5  }
0x130: {  	s2 =	sshrl.u32 s15, $0x3  }
0x131: {  	s2 =	sor.u32 s19, s2  }
0x132: {  	p0 =	slt.u32 s2, $0x1388;
	s2 =	simm.f32 $1.000000000e+00  }
0x133: {  	v2 =	vshll.u32 v2, $0x5;
	s2 =	simm.s32 @!p0 $0x0;
	v19 =	vpop (erf)  }
0x134: {  	v20 =	vor.u32 $0x1, v2;
	v19 =	vmul.f32 s2, v19  }
0x135: {  	v21 =	vor.u32 $0x2, v2  }
0x136: {  	v22 =	vor.u32 $0x3, v2;
	v3 =	vmul.f32 v19, v3  }
0x137: {  	v23 =	vor.u32 $0x4, v2;
	v4 =	vmul.f32 v19, v4  }
0x138: {  	v24 =	vor.u32 $0x5, v2;
	v5 =	vmul.f32 v19, v5;
	[tilespmem:v2+s18+$0x0] =	vst.idx.msk $0xffff, v3  }
0x139: {  	v46 =	vor.u32 $0x6, v2;
	v3 =	vmul.f32 v19, v6;
	[tilespmem:v20+s18+$0x0] =	vst.idx.msk $0xffff, v4  }
0x13a: {  	v48 =	vor.u32 $0x7, v2;
	v47 =	vmul.f32 v19, v7;
	[tilespmem:v21+s18+$0x0] =	vst.idx.msk $0xffff, v5  }
0x13b: {  	v50 =	vor.u32 $0x8, v2;
	v49 =	vmul.f32 v19, v8;
	[tilespmem:v22+s18+$0x0] =	vst.idx.msk $0xffff, v3  }
0x13c: {  	v51 =	vor.u32 $0x9, v2;
	v3 =	vmul.f32 v19, v9;
	[tilespmem:v23+s18+$0x0] =	vst.idx.msk $0xffff, v47  }
0x13d: {  	v53 =	vor.u32 $0xA, v2;
	v52 =	vmul.f32 v19, v10;
	[tilespmem:v24+s18+$0x0] =	vst.idx.msk $0xffff, v49  }
0x13e: {  	v55 =	vor.u32 $0xB, v2;
	v54 =	vmul.f32 v19, v11;
	[tilespmem:v46+s18+$0x0] =	vst.idx.msk $0xffff, v3  }
0x13f: {  	v56 =	vor.u32 $0xC, v2;
	v3 =	vmul.f32 v19, v12;
	[tilespmem:v48+s18+$0x0] =	vst.idx.msk $0xffff, v52  }
0x140: {  	v58 =	vor.u32 $0xD, v2;
	v57 =	vmul.f32 v19, v13;
	[tilespmem:v50+s18+$0x0] =	vst.idx.msk $0xffff, v54  }
0x141: {  	v60 =	vor.u32 $0xE, v2;
	v59 =	vmul.f32 v19, v14;
	[tilespmem:v51+s18+$0x0] =	vst.idx.msk $0xffff, v3  }
0x142: {  	v61 =	vor.u32 $0xF, v2;
	v3 =	vmul.f32 v19, v15;
	[tilespmem:v53+s18+$0x0] =	vst.idx.msk $0xffff, v57  }
0x143: {  	v62 =	vmul.f32 v19, v16;
	v2 =	vor.u32 $0x10, v2;
	[tilespmem:v55+s18+$0x0] =	vst.idx.msk $0xffff, v59  }
0x144: {  	v63 =	vmul.f32 v19, v17;
	[tilespmem:v56+s18+$0x0] =	vst.idx.msk $0xffff, v3  }
0x145: {  	v3 =	vmul.f32 v19, v18;
	[tilespmem:v58+s18+$0x0] =	vst.idx.msk $0xffff, v62  }
0x146: {  	[tilespmem:v60+s18+$0x0] =	vst.idx.msk $0xffff, v63  }
0x147: {  	[tilespmem:v61+s18+$0x0] =	vst.idx.msk $0xffff, v3  }
0x148: {  	[tilespmem:v2+s18+$0x0] =	vst.idx.msk $0xffff, v19  }
0x149: {  	[spmem:s1] =	stream.indirect.scatter.add.f32 [tilespmem:s18], [sflag:$0x3], $0x20, s20, s28, $0xb8;
	[tilespmem:$0x14500] =	vst v63  }
0x14a: {  	s19 =	simm.s32 $0x7400  }
0x14b: {  	[spmem:s1] =	stream.indirect.scatter.add.f32 [tilespmem:s19], [sflag:$0x3], $0x20, s23, s28, $0xb8;
	[tilespmem:$0x14500] =	vst v63  }
0x14c: {  	s21 =	simm.s32 $0x8400  }
0x14d: {  	[spmem:s1] =	stream.indirect.scatter.add.f32 [tilespmem:s21], [sflag:$0x3], $0x20, s24, s28, $0xb8;
	[tilespmem:$0x14500] =	vst v63  }
0x14e: {  	_ = 	snop  }
0x14f: {  	[spmem:s1] =	stream.indirect.scatter.add.f32 [tilespmem:s22], [sflag:$0x3], $0x20, s25, s28, $0xb8;
	[tilespmem:$0x14500] =	vst v63  }
0x150: {  	_ =	swait.ge [sflag:s31], $0x1000  }
0x151: {  	[sflag:s31] =	ssyncset.done $0x0  }
0x152: {  	[sflag:s31] =	ssyncadd.s32 $0xFFFFF000  }
0x153: {  	_ =	swait.ge [sflag:s31], $0x1000  }
0x154: {  	[sflag:s31] =	ssyncset.done $0x0  }
0x155: {  	s17 =	sadd.s32 $0x1, s17;
	[sflag:s31] =	ssyncadd.s32 $0xFFFFF000  }
0x156: {  	p0 =	sne.s32 s17, $0x28;
	_ =	swait.ge [sflag:s31], $0x1000  }
.Ltmp2:
0x157: {  	[sflag:s31] =	ssyncset.done $0x0;
	(pc) =	sbr.rel @p0 .LBB2_4-.Ltmp2, $4  }
0x158: {  	[sflag:s31] =	ssyncadd.s32 $0xFFFFF000  }
0x159: {  	_ =	swait.ge [sflag:s31], $0x1000  }
0x15a: {  	[sflag:s31] =	ssyncset.done $0x0  }
0x15b: {  	[sflag:s31] =	ssyncadd.s32 $0xFFFFF000  }
0x15c: {  	s0 =	stileid.u32;
	[bflag:$0x0] =	sbarrier.arrive $0xFFFF  }
0x15d: {  	s17 =	simm.s32 $0x4;
	s0 =	sshll.u32 s0, $0x6;
	s16 =	rddreg [dreg:$0x5]  }
0x15e: {  	s3 =	rddreg [dreg:$0x6];
	s0 =	sor.u32 $0x1C04, s0;
	s2 =	sshrl.u32 s16, $0x3  }
0x15f: {  	[hbm:s3], [sflag:s0] =	dma.local [spmem:s2], $0xA00  }
0x160: {  	_ =	swait.ge [sflag:s17], $0xA00  }
0x161: {  	s15 =	rddreg [dreg:$0x3]  }
0x162: {  	s21 =	rddreg [dreg:$0x7];
	s15 =	sadd.s32 $0x1, s15  }
0x163: {  	p0 =	sne.s32 s15, s21  }
.Ltmp3:
0x164: {  	_ = 	snop;
	(pc) =	sbr.rel @p0 .LBB2_1-.Ltmp3, $3  }
0x165: {  	_ =	sdelay $0x1  }
0x166: {  	[sflag:s17] =	ssyncset.done $0x0  }
0x167: {  	[sflag:s17] =	ssyncadd.s32 $0xFFFFF600  }
0x168: {  	_ =	sfence.sel $0x180000  }
0x169: {  	[bflag:$0x0] =	sbarrier.arrive $0xFFFF  }
0x16a: {  	_ =	strace $0x9000004A  }
0x16b: {  	s0 =	stileid.u32;
	[bflag:$0x2] =	sbarrier.arrive $0xFFFF  }
0x16c: {  	p0 =	sne.s32 s0, $0x0;
	s0 =	rddreg [dreg:$0x2]  }
0x16d: {  	s0 =	sadd.s32 @!p0 $0x100000, s0  }
0x16e: {  	[sflag:s0] =	ssyncadd.tile.s32 @!p0 $0x1;
	_ =	shalt  }
.Lfunc_end2:
_tile_overlayer_lowered:
.L_overlay_start_2:
0x16f: {  	(tag) =	ssettag $0x2  }
0x170: {  	s0 =	rddreg [dreg:$0x0];
	s2 =	stileid.u32  }
0x171: {  	s1 =	rddreg [dreg:$0x1];
	p0 =	sne.s32 s2, $0x0  }
0x172: {  	s3 =	rddreg [dreg:$0x2];
	[bflag:$0x3] =	sbarrier.arrive $0xFFFF;
	s2 =	simm.s32 @!p0 $0x1C04  }
0x173: {  	[timem:s3], [sflag:s2] =	dma.local @!p0 [hbm:s0], s1  }
0x174: {  	s0 =	simm.s32 @!p0 $0x4  }
0x175: {  	_ =	swait.ge @!p0 [sflag:s0], s1  }
0x176: {  	s1 =	ssub.s32 @!p0 $0x0, s1;
	[sflag:s0] =	ssyncset.done @!p0 $0x0  }
0x177: {  	[sflag:s0] =	ssyncadd.s32 @!p0 s1  }
0x178: {  	[bflag:$0x3] =	sbarrier.arrive $0xFFFF  }
0x179: {  	_ =	shalt  }

// kernel: sparse-core-data-format-call.cloned.1.call-start
scs
called_computation_lowered:
.L_overlay_start_0:
0x0: {  	s1 =	sld [smem:$0x3FD9]  }
0x1: {  	s2 =	sld [smem:$0x3FFE];
	_ =	sdelay $0x1  }
0x2: {  	s3 =	srdreg.scid  }
0x3: {  	s0 =	sand.u32 $0x1, s3  }
0x4: {  	s17 =	sshll.u32 s0, $0xA;
	s1 =	sadd.s32 s2, s1  }
0x5: {  	s1 =	sadd.s32 s1, s17  }
0x6: {  	[smem:$0x3FAC] =	sst s1  }
0x7: {  	_ = 	snop  }
0x8: {  	(tm) =	ssettm $0x1  }
0x9: {  	s18 =	sld [smem:$0x3FFB];
	_ =	sdelay $0x3  }
0xa: {  	_ =	strace s18  }
0xb: {  	s1 =	sld [smem:$0x3FFC];
	_ =	sdelay $0x3  }
0xc: {  	_ =	strace s1  }
0xd: {  	s1 =	sld [smem:$0x3FFD];
	_ =	sdelay $0x3  }
0xe: {  	_ =	strace s1  }
0xf: {  	_ =	strace $0x8FFFFFFF  }
0x10: {  	s19 =	sld [smem:$0x3FDB];
	_ =	sdelay $0x1  }
0x11: {  	s20 =	simm.s32 $_scs_section_size  }
0x12: {  	s4 =	simm.s32 $_size__tile_overlayer_lowered;
	s5 =	simm.s32 $_tile_overlayer_lowered  }
0x13: {  	s23 =	simm.s32 $0x1BFF;
	s22 =	sshll.u32 s5, $0x1;
	s1 =	sadd.s32 s20, s19  }
0x14: {  	s6 =	simm.s32 $0x0;
	s21 =	sshll.u32 s4, $0x1;
	s4 =	sadd.s32 s22, s1  }
0x15: {  	[timem:s6], [sflag:s23] =	dma.local [hbm:s4], s21  }
0x16: {  	_ =	swait.ge [sflag:s23], s21  }
0x17: {  	s2 =	ssub.s32 $0x0, s21;
	[sflag:s23] =	ssyncset.done $0x0  }
0x18: {  	[sflag:s23] =	ssyncadd.s32 s2;
	_ =	sdelay $0x1  }
0x19: {  	s24 =	simm.s32 $0x1B8B  }
0x1a: {  	_ =	swait.ge [sflag:s24], $0x1  }
0x1b: {  	[sflag:s24] =	ssyncset.done $0x0  }
0x1c: {  	s26 =	simm.s32 $0x1B8E;
	s25 =	sld [smem:$0x3FFE];
	[sflag:s24] =	ssyncadd.s32 $0xFFFFFFFF  }
0x1d: {  	s27 =	simm.s32 $execute0_lowered;
	[smem:$0x3FD2] =	sst s26  }
0x1e: {  	s4 =	sshll.u32 s27, $0x1;
	_ =	strace $0x80000046;
	[dreg:$0x1] =	wrdreg $0xFFFFFFFF  }
0x1f: {  	s28 =	simm.s32 $_size_execute0_lowered;
	s1 =	sadd.s32 s1, s4;
	[dreg:$0x0] =	wrdreg $0x0  }
0x20: {  	s4 =	sshll.u32 s28, $0x1;
	[dreg:$0x2] =	wrdreg s1  }
0x21: {  	[dreg:$0x3] =	wrdreg s4  }
0x22: {  	[dreg:$0x4] =	wrdreg $0xC0  }
0x23: {  	_ =	task [dreg:s6], $0x5FFFF  }
0x24: {  	[dreg:$0x1] =	wrdreg $0xFFFFFFFF  }
0x25: {  	[dreg:$0x0] =	wrdreg $0x60  }
0x26: {  	[dreg:$0x2] =	wrdreg s25  }
0x27: {  	[dreg:$0x3] =	wrdreg $0x9  }
0x28: {  	_ =	task.clear_ibuf [dreg:s6], $0x4FFFF;
	_ =	strace $0x90000046  }
0x29: {  	s29 =	simm.s32 $0x9;
	_ =	strace $0x80000048  }
0x2a: {  	_ =	swait.ge [sflag:s29], $0x1  }
0x2b: {  	[sflag:s29] =	ssyncadd.s32 $0xFFFFFFFF  }
0x2c: {  	_ =	strace $0x90000048  }
0x2d: {  	_ =	sfence  }
0x2e: {  	s30 =	sld [smem:$0x0];
	_ =	sdelay $0x2  }
0x2f: {  	s31 =	sshll.u32 s3, $0xD;
	s3 =	sshrl.u32 s3, $0x2  }
0x30: {  	s2 =	sand.u32 $0x4000, s31;
	s1 =	sadd.s32 s3, s30  }
0x31: {  	s0 =	sor.u32 s2, s0;
	s1 =	sshll.u32 s1, $0x11  }
0x32: {  	s0 =	sor.u32 s1, s0  }
0x33: {  	s0 =	sadd.s32 $0x8F2B, s0  }
0x34: {  	[sflag:s0] =	ssyncadd.remote.s32 $0x1  }
0x35: {  	_ =	sfence.sel $0xFFFF  }
0x36: {  	[dreg:$0x0] =	wrdreg $0xFFFFFFFF;
	(pc) =	sbr.abs _section_cstart, $3  }
0x37: {  	[dreg:$0x1] =	wrdreg $0xFFFFFFFF  }
0x38: {  	_ =	task.clear_ibuf [dreg:s6], $0x2FFFF;
	_ =	strace $0x9FFFFFFF  }
0x39: {  	(tm) =	ssettm $0x7FFFFFFF  }
tec
execute0_lowered:
.L_overlay_start_1:
0x0: {  	(tag) =	ssettag $0x1  }
0x1: {  	s0 =	stileid.u32;
	s1 =	srdreg.scid  }
0x2: {  	s7 =	rddreg [dreg:$0x0];
	s31 =	simm.s32 $0x2;
	s15 =	simm.s32 $0x0  }
0x3: {  	s9 =	simm.s32 $0x800;
	s2 =	sshll.u32 s0, $0x3;
	s1 =	sshll.u32 s1, $0x7  }
0x4: {  	s10 =	simm.s32 $0xA0000;
	s1 =	sor.u32 s2, s1;
	s2 =	sand.u32 $0x1, s0  }
0x5: {  	s11 =	simm.s32 $0x0;
	s1 =	sand.u32 $0xF0, s1;
	s4 =	ssub.s32 $0x2, s2  }
0x6: {  	s16 =	simm.s32 $0x0;
	s3 =	ssub.s32 $0x1400, s1;
	s6 =	sshrl.u32 s4, $0x1  }
0x7: {  	s4 =	sand.u32 $0x1, s4;
	s5 =	sand.u32 $0xF0, s3;
	s8 =	sshrl.u32 s3, $0x8  }
0x8: {  	s3 =	rddreg [dreg:$0x1];
	p0 =	sne.s32 s5, $0x0;
	s5 =	simm.s32 $0x1  }
.Ltmp0:
0x9: {  	s6 =	sadd.s32 s4, s6;
	s5 =	simm.s32 @!p0 $0x0;
	(pc) =	sbr.rel .LBB1_1-.Ltmp0, $4  }
0xa: {  	_ =	strace $0x80000047;
	s4 =	simm.s32 $0x1;
	s5 =	sadd.s32 s5, s8  }
0xb: {  	s14 =	simm.s32 $0x0;
	[sflag:s4] =	ssyncpa.u1 $0x0;
	s5 =	smul.u32 s6, s5  }
0xc: {  	s13 =	smov.u32 s2;
	s12 =	smov.u32 s1;
	[sflag:s31] =	ssyncpa.u1 $0x0  }
0xd: {  	s6 =	sadd.s32 $0x27C400, s7;
	s7 =	sadd.s32 $0x3C00, s7;
	s8 =	sadd.s32 $0x1, s5  }
.LBB1_7:
0xe: {  	s17 =	sadd.s32 $0x100, s12  }
0xf: {  	s15 =	sadd.s32 $0x2, s13;
	s19 =	smov.u32 s13;
	p1 =	sgt.s32 s17, $0x13FF  }
0x10: {  	s19 =	smov.u32 @p1 s15  }
0x11: {  	s17 =	smov.u32 @p1 s1;
	p1 =	sgt.s32 s19, $0x1  }
0x12: {  	s19 =	smov.u32 @p1 s2;
	p1 =	sne.s32 s14, s8  }
.Ltmp1:
0x13: {  	p0 =	slt.u32 s14, $0x2;
	(pc) =	sbr.rel @!p1 .LBB1_8-.Ltmp1, $4  }
0x14: {  	s18 =	simm.s32 @!p0 $0x2  }
0x15: {  	s16 =	smov.u32 s13;
	s11 =	sadd.s32 $0x4000, s11;
	_ =	swait.ge @!p0 [sflag:s18], $0x4000  }
0x16: {  	s15 =	smov.u32 s12;
	[sflag:s18] =	ssyncset.done @!p0 $0x0;
	s12 =	smov.u32 s17  }
0x17: {  	s14 =	sadd.s32 $0x1, s14;
	[sflag:s18] =	ssyncadd.s32 @!p0 $0xFFFFC000;
	s13 =	smov.u32 s19  }
.LBB1_1:
0x18: {  	p0 =	sge.u32 s14, s5  }
0x19: {  	s17 =	smul.u32 @!p0 $0xA0000, s13  }
0x1a: {  	s31 =	sadd.s32 $0xFFFFFFFF, s14;
	s18 =	sxor.u32 @!p0 $0xFFFFFFFF, s14  }
0x1b: {  	s19 =	sshll.u32 @!p0 s12, $0x7;
	s18 =	sshll.u32 @!p0 s18, $0xE;
	s17 =	sadd.s32 @!p0 s6, s17  }
0x1c: {  	s18 =	sand.u32 @!p0 $0x4000, s18;
	s17 =	sadd.s32 @!p0 s19, s17;
	s19 =	simm.s32 @!p0 $0x0  }
0x1d: {  	[tilespmem:s18], [sflag:$0x1] =	stream.linear.gather @!p0 [hbm4b:s17+s19], $0x4000, $0x38;
	[tilespmem:$0x10000] =	vst v63  }
0x1e: {  	p0 =	sge.u32 s31, s5  }
.Ltmp2:
0x1f: {  	_ = 	snop;
	(pc) =	sbr.rel @p0 .LBB1_7-.Ltmp2, $1  }
0x20: {  	_ =	sdelay $0x3  }
0x21: {  	s17 =	sand.u32 $0x4000, s11  }
0x22: {  	_ =	swait.ge [sflag:s4], $0x4000;
	s20 =	sshll.u32 s14, $0xE;
	s18 =	sor.u32 $0x8040, s17  }
0x23: {  	s19 =	sor.u32 $0x40, s17;
	[sflag:s4] =	ssyncset.done $0x0;
	s31 =	sand.u32 $0x4000, s20  }
0x24: {  	s20 =	simm.s32 $0x0;
	[sflag:s4] =	ssyncadd.s32 $0xFFFFC000;
	s17 =	sor.u32 $0x8000, s31  }
.LBB1_3:
0x25: {  	v0 =	vmov s19;
	_ =	sdelay $0x3  }
0x26: {  	s22 =	simm.s32 $0x0  }
0x27: {  	v6 =	vld.idx.msk [tilespmem:v0+s22+$0x30 ss:$0x1], $0xffff  }
0x28: {  	v7 =	vld.idx.msk [tilespmem:v0+s22+$0xFFFFFFC0 ss:$0x1], $0xffff  }
0x29: {  	v5 =	vld.idx.msk [tilespmem:v0+s22+$0xFFFFFFD0 ss:$0x1], $0xffff  }
0x2a: {  	v4 =	vld.idx.msk [tilespmem:v0+s22+$0xFFFFFFE0 ss:$0x1], $0xffff  }
0x2b: {  	v3 =	vld.idx.msk [tilespmem:v0+s22+$0xFFFFFFF0 ss:$0x1], $0xffff  }
0x2c: {  	v1 =	vld.idx.msk [tilespmem:v0+s22+$0x0 ss:$0x1], $0xffff  }
0x2d: {  	v2 =	vld.idx.msk [tilespmem:v0+s22+$0x10 ss:$0x1], $0xffff;
	[tilespmem:s18+$0x30] =	vst v6  }
0x2e: {  	s21 =	simm.s32 $0x80;
	s23 =	simm.s32 $0x400;
	[tilespmem:s18+$0xFFFFFFC0] =	vst v7;
	v6 =	vld.idx.msk [tilespmem:v0+s22+$0x20 ss:$0x1], $0xffff;
	s22 =	smov.u32 s18  }
.LBB1_4:
0x2f: {  	p0 =	sne.s32 s23, $0xE00;
	v7 =	vld.idx.msk [tilespmem:v0+s21+$0x30 ss:$0x1], $0xffff;
	[tilespmem:s22+$0xFFFFFFD0] =	vst v5  }
0x30: {  	v8 =	vld.idx.msk [tilespmem:v0+s21+$0xFFFFFFC0 ss:$0x1], $0xffff;
	[tilespmem:s22+$0xFFFFFFE0] =	vst v4  }
0x31: {  	v5 =	vld.idx.msk [tilespmem:v0+s21+$0xFFFFFFD0 ss:$0x1], $0xffff;
	[tilespmem:s22+$0xFFFFFFF0] =	vst v3  }
.Ltmp3:
0x32: {  	v4 =	vld.idx.msk [tilespmem:v0+s21+$0xFFFFFFE0 ss:$0x1], $0xffff;
	[tilespmem:s22+$0x0] =	vst v1;
	(pc) =	sbr.rel @p0 .LBB1_4-.Ltmp3, $4  }
0x33: {  	v3 =	vld.idx.msk [tilespmem:v0+s21+$0xFFFFFFF0 ss:$0x1], $0xffff;
	[tilespmem:s22+$0x10] =	vst v2  }
0x34: {  	v1 =	vld.idx.msk [tilespmem:v0+s21+$0x0 ss:$0x1], $0xffff;
	[tilespmem:s22+$0x20] =	vst v6;
	s22 =	sadd.s32 $0x800, s22  }
0x35: {  	v2 =	vld.idx.msk [tilespmem:v0+s21+$0x10 ss:$0x1], $0xffff;
	[tilespmem:s22+$0x30] =	vst v7  }
0x36: {  	[tilespmem:s22+$0xFFFFFFC0] =	vst v8;
	v6 =	vld.idx.msk [tilespmem:v0+s21+$0x20 ss:$0x1], $0xffff;
	s21 =	sshra.s32 s23, $0x2;
	s23 =	sadd.s32 $0x200, s23  }
0x37: {  	_ =	sdelay $0x2  }
0x38: {  	[tilespmem:s22+$0xFFFFFFD0] =	vst v5  }
0x39: {  	v56 =	vld.idx.msk [tilespmem:v0+s21+$0x30 ss:$0x1], $0xffff;
	[tilespmem:s22+$0xFFFFFFE0] =	vst v4  }
0x3a: {  	v57 =	vld.idx.msk [tilespmem:v0+s21+$0xFFFFFFC0 ss:$0x1], $0xffff;
	[tilespmem:s22+$0xFFFFFFF0] =	vst v3  }
0x3b: {  	v58 =	vld.idx.msk [tilespmem:v0+s21+$0xFFFFFFD0 ss:$0x1], $0xffff;
	[tilespmem:s22+$0x0] =	vst v1  }
0x3c: {  	v59 =	vld.idx.msk [tilespmem:v0+s21+$0xFFFFFFE0 ss:$0x1], $0xffff;
	[tilespmem:s22+$0x10] =	vst v2  }
0x3d: {  	v60 =	vld.idx.msk [tilespmem:v0+s21+$0xFFFFFFF0 ss:$0x1], $0xffff;
	s31 =	sadd.s32 $0x800, s22;
	[tilespmem:s22+$0x20] =	vst v6  }
0x3e: {  	v61 =	vld.idx.msk [tilespmem:v0+s21+$0x0 ss:$0x1], $0xffff;
	[tilespmem:s31+$0x30] =	vst v56  }
0x3f: {  	v62 =	vld.idx.msk [tilespmem:v0+s21+$0x10 ss:$0x1], $0xffff;
	s20 =	sadd.s32 $0x1, s20;
	[tilespmem:s31+$0xFFFFFFC0] =	vst v57  }
0x40: {  	v63 =	vld.idx.msk [tilespmem:v0+s21+$0x20 ss:$0x1], $0xffff;
	p0 =	sne.s32 s20, $0x10;
	[tilespmem:s31+$0xFFFFFFD0] =	vst v58  }
.Ltmp4:
0x41: {  	[tilespmem:s31+$0xFFFFFFE0] =	vst v59;
	(pc) =	sbr.rel @p0 .LBB1_3-.Ltmp4, $4  }
0x42: {  	[tilespmem:s31+$0xFFFFFFF0] =	vst v60  }
0x43: {  	[tilespmem:s31+$0x0] =	vst v61  }
0x44: {  	[tilespmem:s31+$0x10] =	vst v62  }
0x45: {  	s18 =	sadd.s32 $0x80, s18;
	s19 =	sadd.s32 $0x400, s19;
	[tilespmem:s31+$0x20] =	vst v63  }
0x46: {  	s15 =	sand.u32 $0x1FFFFFF, s15  }
0x47: {  	s18 =	smulhi.u32 $0xCCCCCD, s15;
	_ =	sdelay $0x1  }
0x48: {  	s16 =	smul.u32 $0xA0000, s16;
	s18 =	sshrl.u32 s18, $0x4  }
0x49: {  	s18 =	smul.u32 $0x1400, s18  }
.Ltmp5:
0x4a: {  	_ = 	snop;
	(pc) =	sbr.rel .LBB1_7-.Ltmp5, $4  }
0x4b: {  	s15 =	ssub.s32 s15, s18  }
0x4c: {  	s16 =	sadd.s32 s7, s16;
	s15 =	sshll.u32 s15, $0x4  }
0x4d: {  	s15 =	sadd.s32 s15, s16  }
0x4e: {  	[hbm4b:s15+s9] =	stream.strided.scatter [tilespmem:s17], [sflag:$0x2], $0x4000, s10, s9, $0x38;
	[tilespmem:$0x10000] =	vst v63  }
.LBB1_8:
0x4f: {  	_ =	sfence.sel $0x180000  }
0x50: {  	s1 =	simm.s32 $0x1;
	[bflag:$0x0] =	sbarrier.arrive $0xFFFF  }
0x51: {  	s31 =	simm.s32 $0x2;
	[sflag:s1] =	ssyncpa.u1 $0x1  }
0x52: {  	[sflag:s31] =	ssyncpa.u1 $0x1  }
0x53: {  	p0 =	sne.s32 s0, $0x0;
	_ =	strace $0x90000047  }
0x54: {  	s0 =	sadd.s32 @!p0 $0x100000, s3;
	[bflag:$0x2] =	sbarrier.arrive $0xFFFF  }
0x55: {  	[sflag:s0] =	ssyncadd.tile.s32 @!p0 $0x1;
	_ =	shalt  }
.Lfunc_end1:
_tile_overlayer_lowered:
.L_overlay_start_2:
0x56: {  	(tag) =	ssettag $0x2  }
0x57: {  	s0 =	rddreg [dreg:$0x0];
	s2 =	stileid.u32  }
0x58: {  	s1 =	rddreg [dreg:$0x1];
	p0 =	sne.s32 s2, $0x0  }
0x59: {  	s3 =	rddreg [dreg:$0x2];
	[bflag:$0x3] =	sbarrier.arrive $0xFFFF;
	s2 =	simm.s32 @!p0 $0x1C01  }
0x5a: {  	[timem:s3], [sflag:s2] =	dma.local @!p0 [hbm:s0], s1  }
0x5b: {  	s0 =	simm.s32 @!p0 $0x1  }
0x5c: {  	_ =	swait.ge @!p0 [sflag:s0], s1  }
0x5d: {  	s1 =	ssub.s32 @!p0 $0x0, s1;
	[sflag:s0] =	ssyncset.done @!p0 $0x0  }
0x5e: {  	[sflag:s0] =	ssyncadd.s32 @!p0 s1  }
0x5f: {  	[bflag:$0x3] =	sbarrier.arrive $0xFFFF  }
0x60: {  	_ =	shalt  }

</sc_bundles>
